<compile_context>
chip_gen: v7x
topology: tpu7x:2x2x1
jax: 0.10.2.dev20260603
libtpu: 0.0.44.dev20260713+nightly
codegen_flags: <defaults>
</compile_context>

<pallas_src>
import functools

import jax
import jax.numpy as jnp
from jax import lax
from jax.experimental import pallas as pl
from jax.experimental.pallas import tpu as pltpu
from jax.experimental.pallas import tpu_sc as plsc

N = 1000000
D = 16
B = 16384
L = 16
NP = 8


def kernel(src, dst, h_output, node_biases, mu):
    info = plsc.get_sparse_core_info()
    NC, NS = info.num_cores, info.num_subcores
    SPT = B // NS

    mesh = plsc.VectorSubcoreMesh(core_axis_name="c", subcore_axis_name="s")

    @functools.partial(
        pl.kernel,
        out_type=jax.ShapeDtypeStruct((2 * B,), jnp.float32),
        mesh=mesh,
        compiler_params=pltpu.CompilerParams(
            needs_layout_passes=False, use_tc_tiling_on_sc=True),
        scratch_types=[
            pltpu.VMEM((SPT,), jnp.int32),
            pltpu.VMEM((SPT,), jnp.int32),
            pltpu.VMEM((SPT,), jnp.float32),
            pltpu.VMEM((SPT,), jnp.float32),
            pltpu.VMEM((SPT,), jnp.float32),
            pltpu.VMEM((L,), jnp.float32),
            pltpu.VMEM_SHARED((N,), jnp.float32),
            pltpu.VMEM_SHARED((N,), jnp.float32),
            pltpu.SemaphoreType.DMA,
            pltpu.SemaphoreType.DMA,
            pltpu.SemaphoreType.DMA,
        ],
    )
    def body(src_hbm, dst_hbm, ht_hbm, nb_hbm, mu_hbm, out_hbm,
             sidx, didx, gs, gd, acc, muv,
             pA, pB, semp, semg, semb):
        c = lax.axis_index("c")
        s = lax.axis_index("s")
        sbase = s * SPT
        jbase = c * NP
        bufs = [pA, pB]

        pltpu.sync_copy(src_hbm.at[pl.ds(sbase, SPT)], sidx)
        pltpu.sync_copy(dst_hbm.at[pl.ds(sbase, SPT)], didx)
        pltpu.sync_copy(mu_hbm, muv)

        @pl.when(s == 0)
        def _():
            pltpu.async_copy(ht_hbm.at[jbase], pA, semp)

        @pl.when(s == 0)
        def _():
            pltpu.async_copy(ht_hbm.at[jbase + 1], pB, semp)

        for jj in range(NP):
            buf = bufs[jj % 2]

            @pl.when(s == 0)
            def _(jj=jj, buf=buf):
                pltpu.make_async_copy(ht_hbm.at[jbase + jj], buf, semp).wait()

            plsc.subcore_barrier()

            HC = SPT // 2
            cps = []
            for h in range(2):
                sl = pl.ds(h * HC, HC)
                cps.append(pltpu.async_copy(
                    buf.at[sidx.at[sl]], gs.at[sl], semg))
                cps.append(pltpu.async_copy(
                    buf.at[didx.at[sl]], gd.at[sl], semg))

            for h in range(2):
                cps[2 * h].wait()
                cps[2 * h + 1].wait()
                if h == 1 and jj + 2 < NP:
                    plsc.subcore_barrier()
                    if True:
                        @pl.when(s == 0)
                        def _(jj=jj, buf=buf):
                            pltpu.async_copy(
                                ht_hbm.at[jbase + jj + 2], buf, semp)

                def accum(i, _, first=(jj == 0)):
                    sl = pl.ds(i * L, L)
                    prod = gs[sl] * gd[sl]
                    acc[sl] = prod if first else acc[sl] + prod
                    return 0
                lax.fori_loop(h * (HC // L), (h + 1) * (HC // L), accum, 0)

        @pl.when(c == 0)
        def _():
            def mkp1(i, _):
                sl = pl.ds(i * L, L)
                sidx[sl] = sidx[sl] + 1
                return 0
            lax.fori_loop(0, SPT // L, mkp1, 0)
            pltpu.async_copy(nb_hbm.at[sidx], gs, semb)
            pltpu.make_async_copy(nb_hbm.at[sidx], gs, semb).wait()
            mu0 = muv[...][0]

            def add_bias(i, _):
                sl = pl.ds(i * L, L)
                acc[sl] = acc[sl] + gs[sl] + mu0
                return 0
            lax.fori_loop(0, SPT // L, add_bias, 0)

        @pl.when(c == 1)
        def _():
            def mkp1(i, _):
                sl = pl.ds(i * L, L)
                didx[sl] = didx[sl] + 1
                return 0
            lax.fori_loop(0, SPT // L, mkp1, 0)
            pltpu.async_copy(nb_hbm.at[didx], gs, semb)
            pltpu.make_async_copy(nb_hbm.at[didx], gs, semb).wait()

            def add_bias(i, _):
                sl = pl.ds(i * L, L)
                acc[sl] = acc[sl] + gs[sl]
                return 0
            lax.fori_loop(0, SPT // L, add_bias, 0)

        pltpu.sync_copy(acc, out_hbm.at[pl.ds(c * B + sbase, SPT)])

    mu16 = jnp.broadcast_to(mu, (L,))
    parts = body(src, dst, h_output.T, node_biases, mu16)
    return parts[:B] + parts[B:]

# --- scband reference (transcript-rebuilt; emitter-appended) ---
"""Pipeline reference for scband-graph-sagerecommender-implicit-35648228556868 (READ-ONLY COPY).

The authoritative reference and input builder live on the scoring server;
editing this copy changes nothing except your own understanding.
"""

import jax, jax.numpy as jnp
import numpy as np

N_NODES = 1000000
EMBED_DIM = 16
BATCH = 16384


def setup_inputs(seed: int = 0) -> dict:
    key = jax.random.key(seed)
    k1, k2, k3, k4 = jax.random.split(key, 4)
    src = jax.random.randint(k1, (BATCH,), 0, N_NODES, dtype=jnp.int64 if jax.config.jax_enable_x64 else jnp.int32).astype(jnp.int32)
    dst = jax.random.randint(k2, (BATCH,), 0, N_NODES, dtype=jnp.int64 if jax.config.jax_enable_x64 else jnp.int32).astype(jnp.int32)
    # h_output stands in for gcn(nf): the per-node embedding table produced by the GNN.
    h_output = jax.random.normal(k3, (N_NODES, EMBED_DIM), dtype=jnp.float32)
    # node_biases has n_nodes + 1 entries (index 0 is a padding slot, zeroed per zeroed_indices=[0]).
    node_biases = jax.random.normal(k4, (N_NODES + 1,), dtype=jnp.float32) * 0.01
    node_biases = node_biases.at[0].set(0.0)
    mu = jnp.zeros((1,), dtype=jnp.float32)
    return {"src": src, "dst": dst, "h_output": h_output, "node_biases": node_biases, "mu": mu}


def reference(src, dst, h_output, node_biases, mu):
    # map_from_parent_nid with identity mapping: src/dst are parent node ids
    # that index directly into the last-layer node embeddings.
    h_src = jnp.take(h_output, src, axis=0)
    h_dst = jnp.take(h_output, dst, axis=0)
    score = mu[0] + jnp.sum(h_src * h_dst, axis=1) + jnp.take(node_biases, src + 1, axis=0) + jnp.take(node_biases, dst + 1, axis=0)
    return score

if __name__ == "__main__":
    import jax
    _d = setup_inputs()
    print(jax.jit(kernel)(*tuple(_d.values())))

</pallas_src>

<mosaic_0001>
#map = affine_map<(d0, d1) -> (0)>
#map1 = affine_map<(d0, d1) -> (0, 0)>
module attributes {stable_mosaic.version = 14 : i64} {
  func.func @body(%arg0: i32, %arg1: i32, %arg2: memref<16384xi32, #tpu.memory_space<hbm>>, %arg3: memref<16384xi32, #tpu.memory_space<hbm>>, %arg4: memref<16x1000000xf32, #tpu.memory_space<hbm>>, %arg5: memref<1000001xf32, #tpu.memory_space<hbm>>, %arg6: memref<16xf32, #tpu.memory_space<hbm>>, %arg7: memref<32768xf32, #tpu.memory_space<hbm>>, %arg8: memref<1024xi32, #tpu.memory_space<vmem>>, %arg9: memref<1024xi32, #tpu.memory_space<vmem>>, %arg10: memref<1024xf32, #tpu.memory_space<vmem>>, %arg11: memref<1024xf32, #tpu.memory_space<vmem>>, %arg12: memref<1024xf32, #tpu.memory_space<vmem>>, %arg13: memref<16xf32, #tpu.memory_space<vmem>>, %arg14: memref<1000000xf32, #tpu.memory_space<vmem_shared>>, %arg15: memref<1000000xf32, #tpu.memory_space<vmem_shared>>, %arg16: memref<!tpu.dma_semaphore, #tpu.memory_space<semaphore_mem>>, %arg17: memref<!tpu.dma_semaphore, #tpu.memory_space<semaphore_mem>>, %arg18: memref<!tpu.dma_semaphore, #tpu.memory_space<semaphore_mem>>) attributes {dimension_semantics = [#tpu.dimension_semantics<core_parallel>, #tpu.dimension_semantics<subcore_parallel>], iteration_bounds = array<i64: 2, 16>, scalar_prefetch = 0 : i64, scratch_operands = 11 : i64, tpu.core_type = #tpu.core_type<sc_vector_subcore>, window_params = [{transform_indices = #map}, {transform_indices = #map}, {transform_indices = #map1}, {transform_indices = #map}, {transform_indices = #map}, {transform_indices = #map}]} {
    %mul3A = arith.constant 1024 : i32
    %mul3A_0 = arith.muli %arg1, %mul3A : i32
    %mul3A_1 = arith.constant 8 : i32
    %mul3A_2 = arith.muli %arg0, %mul3A_1 : i32
    "tpu.region"() ({
      %run_scoped3A = tpu.sem_alloc : memref<!tpu.dma_semaphore, #tpu.memory_space<semaphore_mem>>
      %dma_start3A_598 = tpu.memref_slice %arg2[%mul3A_0] : memref<16384xi32, #tpu.memory_space<hbm>> -> memref<1024xi32, #tpu.memory_space<hbm>>
      %dma_start3A_599 = tpu.memref_slice %arg2[%mul3A_0] : memref<16384xi32, #tpu.memory_space<hbm>> -> memref<1024xi32, #tpu.memory_space<hbm>>
      tpu.enqueue_dma source(%dma_start3A_599 : memref<1024xi32, #tpu.memory_space<hbm>>) target(%arg8 : memref<1024xi32, #tpu.memory_space<vmem>>) target_semaphore(%run_scoped3A : memref<!tpu.dma_semaphore, #tpu.memory_space<semaphore_mem>>)
      %dma_wait3A_600 = tpu.memref_slice %arg2[%mul3A_0] : memref<16384xi32, #tpu.memory_space<hbm>> -> memref<1024xi32, #tpu.memory_space<hbm>>
      %dma_wait3A_601 = tpu.memref_slice %arg2[%mul3A_0] : memref<16384xi32, #tpu.memory_space<hbm>> -> memref<1024xi32, #tpu.memory_space<hbm>>
      tpu.wait_dma2 semaphore(%run_scoped3A : memref<!tpu.dma_semaphore, #tpu.memory_space<semaphore_mem>>) src(%dma_wait3A_601 : memref<1024xi32, #tpu.memory_space<hbm>>) dst(%arg8 : memref<1024xi32, #tpu.memory_space<vmem>>)
      tpu.yield
    }) : () -> ()
    "tpu.region"() ({
      %run_scoped3A = tpu.sem_alloc : memref<!tpu.dma_semaphore, #tpu.memory_space<semaphore_mem>>
      %dma_start3A_598 = tpu.memref_slice %arg3[%mul3A_0] : memref<16384xi32, #tpu.memory_space<hbm>> -> memref<1024xi32, #tpu.memory_space<hbm>>
      %dma_start3A_599 = tpu.memref_slice %arg3[%mul3A_0] : memref<16384xi32, #tpu.memory_space<hbm>> -> memref<1024xi32, #tpu.memory_space<hbm>>
      tpu.enqueue_dma source(%dma_start3A_599 : memref<1024xi32, #tpu.memory_space<hbm>>) target(%arg9 : memref<1024xi32, #tpu.memory_space<vmem>>) target_semaphore(%run_scoped3A : memref<!tpu.dma_semaphore, #tpu.memory_space<semaphore_mem>>)
      %dma_wait3A_600 = tpu.memref_slice %arg3[%mul3A_0] : memref<16384xi32, #tpu.memory_space<hbm>> -> memref<1024xi32, #tpu.memory_space<hbm>>
      %dma_wait3A_601 = tpu.memref_slice %arg3[%mul3A_0] : memref<16384xi32, #tpu.memory_space<hbm>> -> memref<1024xi32, #tpu.memory_space<hbm>>
      tpu.wait_dma2 semaphore(%run_scoped3A : memref<!tpu.dma_semaphore, #tpu.memory_space<semaphore_mem>>) src(%dma_wait3A_601 : memref<1024xi32, #tpu.memory_space<hbm>>) dst(%arg9 : memref<1024xi32, #tpu.memory_space<vmem>>)
      tpu.yield
    }) : () -> ()
    "tpu.region"() ({
      %run_scoped3A = tpu.sem_alloc : memref<!tpu.dma_semaphore, #tpu.memory_space<semaphore_mem>>
      tpu.enqueue_dma source(%arg6 : memref<16xf32, #tpu.memory_space<hbm>>) target(%arg13 : memref<16xf32, #tpu.memory_space<vmem>>) target_semaphore(%run_scoped3A : memref<!tpu.dma_semaphore, #tpu.memory_space<semaphore_mem>>)
      tpu.wait_dma2 semaphore(%run_scoped3A : memref<!tpu.dma_semaphore, #tpu.memory_space<semaphore_mem>>) src(%arg6 : memref<16xf32, #tpu.memory_space<hbm>>) dst(%arg13 : memref<16xf32, #tpu.memory_space<vmem>>)
      tpu.yield
    }) : () -> ()
    %eq3A = arith.constant 0 : i32
    %eq3A_3 = arith.cmpi eq, %arg1, %eq3A : i32
    %convert_element_type3A = arith.extui %eq3A_3 : i1 to i32
    %cond3A = arith.constant 0 : i32
    %cond3A_4 = arith.cmpi ne, %convert_element_type3A, %cond3A : i32
    scf.if %cond3A_4 {
      %dma_start3A_598 = arith.constant 0 : i32
      %dma_start3A_599 = tpu.memref_slice %arg4[%mul3A_2, %dma_start3A_598] : memref<16x1000000xf32, #tpu.memory_space<hbm>> -> memref<1x1000000xf32, #tpu.memory_space<hbm>>
      %dma_start3A_600 = tpu.memref_squeeze %dma_start3A_599 : memref<1x1000000xf32, #tpu.memory_space<hbm>> -> memref<1000000xf32, #tpu.memory_space<hbm>>
      tpu.enqueue_dma source(%dma_start3A_600 : memref<1000000xf32, #tpu.memory_space<hbm>>) target(%arg14 : memref<1000000xf32, #tpu.memory_space<vmem_shared>>) target_semaphore(%arg16 : memref<!tpu.dma_semaphore, #tpu.memory_space<semaphore_mem>>)
    } else {
    }
    %eq3A_5 = arith.constant 0 : i32
    %eq3A_6 = arith.cmpi eq, %arg1, %eq3A_5 : i32
    %convert_element_type3A_7 = arith.extui %eq3A_6 : i1 to i32
    %cond3A_8 = arith.constant 0 : i32
    %cond3A_9 = arith.cmpi ne, %convert_element_type3A_7, %cond3A_8 : i32
    scf.if %cond3A_9 {
      %add3A_598 = arith.constant 1 : i32
      %add3A_599 = arith.addi %mul3A_2, %add3A_598 : i32
      %dma_start3A_600 = arith.constant 0 : i32
      %dma_start3A_601 = tpu.memref_slice %arg4[%add3A_599, %dma_start3A_600] : memref<16x1000000xf32, #tpu.memory_space<hbm>> -> memref<1x1000000xf32, #tpu.memory_space<hbm>>
      %dma_start3A_602 = tpu.memref_squeeze %dma_start3A_601 : memref<1x1000000xf32, #tpu.memory_space<hbm>> -> memref<1000000xf32, #tpu.memory_space<hbm>>
      tpu.enqueue_dma source(%dma_start3A_602 : memref<1000000xf32, #tpu.memory_space<hbm>>) target(%arg15 : memref<1000000xf32, #tpu.memory_space<vmem_shared>>) target_semaphore(%arg16 : memref<!tpu.dma_semaphore, #tpu.memory_space<semaphore_mem>>)
    } else {
    }
    %eq3A_10 = arith.constant 0 : i32
    %eq3A_11 = arith.cmpi eq, %arg1, %eq3A_10 : i32
    %convert_element_type3A_12 = arith.extui %eq3A_11 : i1 to i32
    %cond3A_13 = arith.constant 0 : i32
    %cond3A_14 = arith.cmpi ne, %convert_element_type3A_12, %cond3A_13 : i32
    scf.if %cond3A_14 {
      %add3A_598 = arith.constant 0 : i32
      %add3A_599 = arith.addi %mul3A_2, %add3A_598 : i32
      %dma_wait3A_600 = arith.constant 0 : i32
      %dma_wait3A_601 = tpu.memref_slice %arg4[%add3A_599, %dma_wait3A_600] : memref<16x1000000xf32, #tpu.memory_space<hbm>> -> memref<1x1000000xf32, #tpu.memory_space<hbm>>
      %dma_wait3A_602 = tpu.memref_squeeze %dma_wait3A_601 : memref<1x1000000xf32, #tpu.memory_space<hbm>> -> memref<1000000xf32, #tpu.memory_space<hbm>>
      tpu.wait_dma2 semaphore(%arg16 : memref<!tpu.dma_semaphore, #tpu.memory_space<semaphore_mem>>) src(%dma_wait3A_602 : memref<1000000xf32, #tpu.memory_space<hbm>>) dst(%arg14 : memref<1000000xf32, #tpu.memory_space<vmem_shared>>)
    } else {
    }
    %barrier3A = arith.constant 0 : index
    tpu.barrier barrier_id(%barrier3A)
    %dma_start3A = arith.constant 0 : i32
    %dma_start3A_15 = tpu.memref_slice %arg10[%dma_start3A] : memref<1024xf32, #tpu.memory_space<vmem>> -> memref<512xf32, #tpu.memory_space<vmem>>
    %dma_start3A_16 = arith.constant 0 : i32
    %dma_start3A_17 = tpu.memref_slice %arg8[%dma_start3A_16] : memref<1024xi32, #tpu.memory_space<vmem>> -> memref<512xi32, #tpu.memory_space<vmem>>
    %dma_start3A_18 = arith.constant 0 : i32
    %dma_start3A_19 = tpu.memref_slice %arg14[%dma_start3A_18] : memref<1000000xf32, #tpu.memory_space<vmem_shared>> -> memref<1000000xf32, #tpu.memory_space<vmem_shared>>
    tpu.enqueue_indirect_dma source(%dma_start3A_19 : memref<1000000xf32, #tpu.memory_space<vmem_shared>>) target(%dma_start3A_15 : memref<512xf32, #tpu.memory_space<vmem>>) offsets(%dma_start3A_17 : memref<512xi32, #tpu.memory_space<vmem>>) semaphore(%arg17 : memref<!tpu.dma_semaphore, #tpu.memory_space<semaphore_mem>>)
    %dma_start3A_20 = arith.constant 0 : i32
    %dma_start3A_21 = tpu.memref_slice %arg11[%dma_start3A_20] : memref<1024xf32, #tpu.memory_space<vmem>> -> memref<512xf32, #tpu.memory_space<vmem>>
    %dma_start3A_22 = arith.constant 0 : i32
    %dma_start3A_23 = tpu.memref_slice %arg9[%dma_start3A_22] : memref<1024xi32, #tpu.memory_space<vmem>> -> memref<512xi32, #tpu.memory_space<vmem>>
    %dma_start3A_24 = arith.constant 0 : i32
    %dma_start3A_25 = tpu.memref_slice %arg14[%dma_start3A_24] : memref<1000000xf32, #tpu.memory_space<vmem_shared>> -> memref<1000000xf32, #tpu.memory_space<vmem_shared>>
    tpu.enqueue_indirect_dma source(%dma_start3A_25 : memref<1000000xf32, #tpu.memory_space<vmem_shared>>) target(%dma_start3A_21 : memref<512xf32, #tpu.memory_space<vmem>>) offsets(%dma_start3A_23 : memref<512xi32, #tpu.memory_space<vmem>>) semaphore(%arg17 : memref<!tpu.dma_semaphore, #tpu.memory_space<semaphore_mem>>)
    %dma_start3A_26 = arith.constant 512 : i32
    %dma_start3A_27 = tpu.memref_slice %arg10[%dma_start3A_26] : memref<1024xf32, #tpu.memory_space<vmem>> -> memref<512xf32, #tpu.memory_space<vmem>>
    %dma_start3A_28 = arith.constant 512 : i32
    %dma_start3A_29 = tpu.memref_slice %arg8[%dma_start3A_28] : memref<1024xi32, #tpu.memory_space<vmem>> -> memref<512xi32, #tpu.memory_space<vmem>>
    %dma_start3A_30 = arith.constant 0 : i32
    %dma_start3A_31 = tpu.memref_slice %arg14[%dma_start3A_30] : memref<1000000xf32, #tpu.memory_space<vmem_shared>> -> memref<1000000xf32, #tpu.memory_space<vmem_shared>>
    tpu.enqueue_indirect_dma source(%dma_start3A_31 : memref<1000000xf32, #tpu.memory_space<vmem_shared>>) target(%dma_start3A_27 : memref<512xf32, #tpu.memory_space<vmem>>) offsets(%dma_start3A_29 : memref<512xi32, #tpu.memory_space<vmem>>) semaphore(%arg17 : memref<!tpu.dma_semaphore, #tpu.memory_space<semaphore_mem>>)
    %dma_start3A_32 = arith.constant 512 : i32
    %dma_start3A_33 = tpu.memref_slice %arg11[%dma_start3A_32] : memref<1024xf32, #tpu.memory_space<vmem>> -> memref<512xf32, #tpu.memory_space<vmem>>
    %dma_start3A_34 = arith.constant 512 : i32
    %dma_start3A_35 = tpu.memref_slice %arg9[%dma_start3A_34] : memref<1024xi32, #tpu.memory_space<vmem>> -> memref<512xi32, #tpu.memory_space<vmem>>
    %dma_start3A_36 = arith.constant 0 : i32
    %dma_start3A_37 = tpu.memref_slice %arg14[%dma_start3A_36] : memref<1000000xf32, #tpu.memory_space<vmem_shared>> -> memref<1000000xf32, #tpu.memory_space<vmem_shared>>
    tpu.enqueue_indirect_dma source(%dma_start3A_37 : memref<1000000xf32, #tpu.memory_space<vmem_shared>>) target(%dma_start3A_33 : memref<512xf32, #tpu.memory_space<vmem>>) offsets(%dma_start3A_35 : memref<512xi32, #tpu.memory_space<vmem>>) semaphore(%arg17 : memref<!tpu.dma_semaphore, #tpu.memory_space<semaphore_mem>>)
    %dma_wait3A = arith.constant 0 : i32
    %dma_wait3A_38 = tpu.memref_slice %arg10[%dma_wait3A] : memref<1024xf32, #tpu.memory_space<vmem>> -> memref<512xf32, #tpu.memory_space<vmem>>
    %dma_wait3A_39 = arith.constant 0 : i32
    %dma_wait3A_40 = tpu.memref_slice %arg8[%dma_wait3A_39] : memref<1024xi32, #tpu.memory_space<vmem>> -> memref<512xi32, #tpu.memory_space<vmem>>
    %dma_wait3A_41 = arith.constant 0 : i32
    %dma_wait3A_42 = tpu.memref_slice %arg14[%dma_wait3A_41] : memref<1000000xf32, #tpu.memory_space<vmem_shared>> -> memref<1000000xf32, #tpu.memory_space<vmem_shared>>
    tpu.wait_indirect_dma semaphore(%arg17 : memref<!tpu.dma_semaphore, #tpu.memory_space<semaphore_mem>>) src(%dma_wait3A_42 : memref<1000000xf32, #tpu.memory_space<vmem_shared>>) dst(%dma_wait3A_38 : memref<512xf32, #tpu.memory_space<vmem>>)
    %dma_wait3A_43 = arith.constant 0 : i32
    %dma_wait3A_44 = tpu.memref_slice %arg11[%dma_wait3A_43] : memref<1024xf32, #tpu.memory_space<vmem>> -> memref<512xf32, #tpu.memory_space<vmem>>
    %dma_wait3A_45 = arith.constant 0 : i32
    %dma_wait3A_46 = tpu.memref_slice %arg9[%dma_wait3A_45] : memref<1024xi32, #tpu.memory_space<vmem>> -> memref<512xi32, #tpu.memory_space<vmem>>
    %dma_wait3A_47 = arith.constant 0 : i32
    %dma_wait3A_48 = tpu.memref_slice %arg14[%dma_wait3A_47] : memref<1000000xf32, #tpu.memory_space<vmem_shared>> -> memref<1000000xf32, #tpu.memory_space<vmem_shared>>
    tpu.wait_indirect_dma semaphore(%arg17 : memref<!tpu.dma_semaphore, #tpu.memory_space<semaphore_mem>>) src(%dma_wait3A_48 : memref<1000000xf32, #tpu.memory_space<vmem_shared>>) dst(%dma_wait3A_44 : memref<512xf32, #tpu.memory_space<vmem>>)
    %scan3A = arith.constant 0 : i32
    %scan3A_49 = arith.constant 0 : i32
    %scan3A_50 = arith.constant 32 : i32
    %scan3A_51 = arith.addi %scan3A_49, %scan3A_50 : i32
    %scan3A_52 = arith.constant 1 : i32
    %scan3A_53 = scf.for %scan3A_598 = %scan3A_49 to %scan3A_51 step %scan3A_52 iter_args(%scan3A_599 = %scan3A) -> (i32)  : i32 {
      %mul3A_600 = arith.constant 16 : i32
      %mul3A_601 = arith.muli %scan3A_598, %mul3A_600 : i32
      %get3A = arith.index_cast %mul3A_601 : i32 to index
      %get3A_602 = tpu.vector_load %arg10[%get3A] {strides = array<i32>} : memref<1024xf32, #tpu.memory_space<vmem>>, vector<16xf32>,
      %get3A_603 = arith.index_cast %mul3A_601 : i32 to index
      %get3A_604 = tpu.vector_load %arg11[%get3A_603] {strides = array<i32>} : memref<1024xf32, #tpu.memory_space<vmem>>, vector<16xf32>,
      %mul3A_605 = arith.mulf %get3A_602, %get3A_604 : vector<16xf32>
      %swap3A = arith.index_cast %mul3A_601 : i32 to index
      %swap3A_606 = tpu.vector_load %arg12[%swap3A] {strides = array<i32>} : memref<1024xf32, #tpu.memory_space<vmem>>, vector<16xf32>,
      tpu.vector_store %arg12[%swap3A], %mul3A_605 {strides = array<i32>} : memref<1024xf32, #tpu.memory_space<vmem>>, vector<16xf32>,
      %scan3A_607 = arith.constant 0 : i32
      scf.yield %scan3A_607 : i32
    }
    %scan3A_54 = arith.constant 32 : i32
    %dma_wait3A_55 = arith.constant 512 : i32
    %dma_wait3A_56 = tpu.memref_slice %arg10[%dma_wait3A_55] : memref<1024xf32, #tpu.memory_space<vmem>> -> memref<512xf32, #tpu.memory_space<vmem>>
    %dma_wait3A_57 = arith.constant 512 : i32
    %dma_wait3A_58 = tpu.memref_slice %arg8[%dma_wait3A_57] : memref<1024xi32, #tpu.memory_space<vmem>> -> memref<512xi32, #tpu.memory_space<vmem>>
    %dma_wait3A_59 = arith.constant 0 : i32
    %dma_wait3A_60 = tpu.memref_slice %arg14[%dma_wait3A_59] : memref<1000000xf32, #tpu.memory_space<vmem_shared>> -> memref<1000000xf32, #tpu.memory_space<vmem_shared>>
    tpu.wait_indirect_dma semaphore(%arg17 : memref<!tpu.dma_semaphore, #tpu.memory_space<semaphore_mem>>) src(%dma_wait3A_60 : memref<1000000xf32, #tpu.memory_space<vmem_shared>>) dst(%dma_wait3A_56 : memref<512xf32, #tpu.memory_space<vmem>>)
    %dma_wait3A_61 = arith.constant 512 : i32
    %dma_wait3A_62 = tpu.memref_slice %arg11[%dma_wait3A_61] : memref<1024xf32, #tpu.memory_space<vmem>> -> memref<512xf32, #tpu.memory_space<vmem>>
    %dma_wait3A_63 = arith.constant 512 : i32
    %dma_wait3A_64 = tpu.memref_slice %arg9[%dma_wait3A_63] : memref<1024xi32, #tpu.memory_space<vmem>> -> memref<512xi32, #tpu.memory_space<vmem>>
    %dma_wait3A_65 = arith.constant 0 : i32
    %dma_wait3A_66 = tpu.memref_slice %arg14[%dma_wait3A_65] : memref<1000000xf32, #tpu.memory_space<vmem_shared>> -> memref<1000000xf32, #tpu.memory_space<vmem_shared>>
    tpu.wait_indirect_dma semaphore(%arg17 : memref<!tpu.dma_semaphore, #tpu.memory_space<semaphore_mem>>) src(%dma_wait3A_66 : memref<1000000xf32, #tpu.memory_space<vmem_shared>>) dst(%dma_wait3A_62 : memref<512xf32, #tpu.memory_space<vmem>>)
    %barrier3A_67 = arith.constant 0 : index
    tpu.barrier barrier_id(%barrier3A_67)
    %eq3A_68 = arith.constant 0 : i32
    %eq3A_69 = arith.cmpi eq, %arg1, %eq3A_68 : i32
    %convert_element_type3A_70 = arith.extui %eq3A_69 : i1 to i32
    %cond3A_71 = arith.constant 0 : i32
    %cond3A_72 = arith.cmpi ne, %convert_element_type3A_70, %cond3A_71 : i32
    scf.if %cond3A_72 {
      %add3A_598 = arith.constant 0 : i32
      %add3A_599 = arith.addi %mul3A_2, %add3A_598 : i32
      %add3A_600 = arith.constant 2 : i32
      %add3A_601 = arith.addi %add3A_599, %add3A_600 : i32
      %dma_start3A_602 = arith.constant 0 : i32
      %dma_start3A_603 = tpu.memref_slice %arg4[%add3A_601, %dma_start3A_602] : memref<16x1000000xf32, #tpu.memory_space<hbm>> -> memref<1x1000000xf32, #tpu.memory_space<hbm>>
      %dma_start3A_604 = tpu.memref_squeeze %dma_start3A_603 : memref<1x1000000xf32, #tpu.memory_space<hbm>> -> memref<1000000xf32, #tpu.memory_space<hbm>>
      tpu.enqueue_dma source(%dma_start3A_604 : memref<1000000xf32, #tpu.memory_space<hbm>>) target(%arg14 : memref<1000000xf32, #tpu.memory_space<vmem_shared>>) target_semaphore(%arg16 : memref<!tpu.dma_semaphore, #tpu.memory_space<semaphore_mem>>)
    } else {
    }
    %scan3A_73 = arith.constant 0 : i32
    %scan3A_74 = arith.constant 32 : i32
    %scan3A_75 = arith.constant 32 : i32
    %scan3A_76 = arith.addi %scan3A_74, %scan3A_75 : i32
    %scan3A_77 = arith.constant 1 : i32
    %scan3A_78 = scf.for %scan3A_598 = %scan3A_74 to %scan3A_76 step %scan3A_77 iter_args(%scan3A_599 = %scan3A_73) -> (i32)  : i32 {
      %mul3A_600 = arith.constant 16 : i32
      %mul3A_601 = arith.muli %scan3A_598, %mul3A_600 : i32
      %get3A = arith.index_cast %mul3A_601 : i32 to index
      %get3A_602 = tpu.vector_load %arg10[%get3A] {strides = array<i32>} : memref<1024xf32, #tpu.memory_space<vmem>>, vector<16xf32>,
      %get3A_603 = arith.index_cast %mul3A_601 : i32 to index
      %get3A_604 = tpu.vector_load %arg11[%get3A_603] {strides = array<i32>} : memref<1024xf32, #tpu.memory_space<vmem>>, vector<16xf32>,
      %mul3A_605 = arith.mulf %get3A_602, %get3A_604 : vector<16xf32>
      %swap3A = arith.index_cast %mul3A_601 : i32 to index
      %swap3A_606 = tpu.vector_load %arg12[%swap3A] {strides = array<i32>} : memref<1024xf32, #tpu.memory_space<vmem>>, vector<16xf32>,
      tpu.vector_store %arg12[%swap3A], %mul3A_605 {strides = array<i32>} : memref<1024xf32, #tpu.memory_space<vmem>>, vector<16xf32>,
      %scan3A_607 = arith.constant 0 : i32
      scf.yield %scan3A_607 : i32
    }
    %scan3A_79 = arith.constant 32 : i32
    %eq3A_80 = arith.constant 0 : i32
    %eq3A_81 = arith.cmpi eq, %arg1, %eq3A_80 : i32
    %convert_element_type3A_82 = arith.extui %eq3A_81 : i1 to i32
    %cond3A_83 = arith.constant 0 : i32
    %cond3A_84 = arith.cmpi ne, %convert_element_type3A_82, %cond3A_83 : i32
    scf.if %cond3A_84 {
      %add3A_598 = arith.constant 1 : i32
      %add3A_599 = arith.addi %mul3A_2, %add3A_598 : i32
      %dma_wait3A_600 = arith.constant 0 : i32
      %dma_wait3A_601 = tpu.memref_slice %arg4[%add3A_599, %dma_wait3A_600] : memref<16x1000000xf32, #tpu.memory_space<hbm>> -> memref<1x1000000xf32, #tpu.memory_space<hbm>>
      %dma_wait3A_602 = tpu.memref_squeeze %dma_wait3A_601 : memref<1x1000000xf32, #tpu.memory_space<hbm>> -> memref<1000000xf32, #tpu.memory_space<hbm>>
      tpu.wait_dma2 semaphore(%arg16 : memref<!tpu.dma_semaphore, #tpu.memory_space<semaphore_mem>>) src(%dma_wait3A_602 : memref<1000000xf32, #tpu.memory_space<hbm>>) dst(%arg15 : memref<1000000xf32, #tpu.memory_space<vmem_shared>>)
    } else {
    }
    %barrier3A_85 = arith.constant 0 : index
    tpu.barrier barrier_id(%barrier3A_85)
    %dma_start3A_86 = arith.constant 0 : i32
    %dma_start3A_87 = tpu.memref_slice %arg10[%dma_start3A_86] : memref<1024xf32, #tpu.memory_space<vmem>> -> memref<512xf32, #tpu.memory_space<vmem>>
    %dma_start3A_88 = arith.constant 0 : i32
    %dma_start3A_89 = tpu.memref_slice %arg8[%dma_start3A_88] : memref<1024xi32, #tpu.memory_space<vmem>> -> memref<512xi32, #tpu.memory_space<vmem>>
    %dma_start3A_90 = arith.constant 0 : i32
    %dma_start3A_91 = tpu.memref_slice %arg15[%dma_start3A_90] : memref<1000000xf32, #tpu.memory_space<vmem_shared>> -> memref<1000000xf32, #tpu.memory_space<vmem_shared>>
    tpu.enqueue_indirect_dma source(%dma_start3A_91 : memref<1000000xf32, #tpu.memory_space<vmem_shared>>) target(%dma_start3A_87 : memref<512xf32, #tpu.memory_space<vmem>>) offsets(%dma_start3A_89 : memref<512xi32, #tpu.memory_space<vmem>>) semaphore(%arg17 : memref<!tpu.dma_semaphore, #tpu.memory_space<semaphore_mem>>)
    %dma_start3A_92 = arith.constant 0 : i32
    %dma_start3A_93 = tpu.memref_slice %arg11[%dma_start3A_92] : memref<1024xf32, #tpu.memory_space<vmem>> -> memref<512xf32, #tpu.memory_space<vmem>>
    %dma_start3A_94 = arith.constant 0 : i32
    %dma_start3A_95 = tpu.memref_slice %arg9[%dma_start3A_94] : memref<1024xi32, #tpu.memory_space<vmem>> -> memref<512xi32, #tpu.memory_space<vmem>>
    %dma_start3A_96 = arith.constant 0 : i32
    %dma_start3A_97 = tpu.memref_slice %arg15[%dma_start3A_96] : memref<1000000xf32, #tpu.memory_space<vmem_shared>> -> memref<1000000xf32, #tpu.memory_space<vmem_shared>>
    tpu.enqueue_indirect_dma source(%dma_start3A_97 : memref<1000000xf32, #tpu.memory_space<vmem_shared>>) target(%dma_start3A_93 : memref<512xf32, #tpu.memory_space<vmem>>) offsets(%dma_start3A_95 : memref<512xi32, #tpu.memory_space<vmem>>) semaphore(%arg17 : memref<!tpu.dma_semaphore, #tpu.memory_space<semaphore_mem>>)
    %dma_start3A_98 = arith.constant 512 : i32
    %dma_start3A_99 = tpu.memref_slice %arg10[%dma_start3A_98] : memref<1024xf32, #tpu.memory_space<vmem>> -> memref<512xf32, #tpu.memory_space<vmem>>
    %dma_start3A_100 = arith.constant 512 : i32
    %dma_start3A_101 = tpu.memref_slice %arg8[%dma_start3A_100] : memref<1024xi32, #tpu.memory_space<vmem>> -> memref<512xi32, #tpu.memory_space<vmem>>
    %dma_start3A_102 = arith.constant 0 : i32
    %dma_start3A_103 = tpu.memref_slice %arg15[%dma_start3A_102] : memref<1000000xf32, #tpu.memory_space<vmem_shared>> -> memref<1000000xf32, #tpu.memory_space<vmem_shared>>
    tpu.enqueue_indirect_dma source(%dma_start3A_103 : memref<1000000xf32, #tpu.memory_space<vmem_shared>>) target(%dma_start3A_99 : memref<512xf32, #tpu.memory_space<vmem>>) offsets(%dma_start3A_101 : memref<512xi32, #tpu.memory_space<vmem>>) semaphore(%arg17 : memref<!tpu.dma_semaphore, #tpu.memory_space<semaphore_mem>>)
    %dma_start3A_104 = arith.constant 512 : i32
    %dma_start3A_105 = tpu.memref_slice %arg11[%dma_start3A_104] : memref<1024xf32, #tpu.memory_space<vmem>> -> memref<512xf32, #tpu.memory_space<vmem>>
    %dma_start3A_106 = arith.constant 512 : i32
    %dma_start3A_107 = tpu.memref_slice %arg9[%dma_start3A_106] : memref<1024xi32, #tpu.memory_space<vmem>> -> memref<512xi32, #tpu.memory_space<vmem>>
    %dma_start3A_108 = arith.constant 0 : i32
    %dma_start3A_109 = tpu.memref_slice %arg15[%dma_start3A_108] : memref<1000000xf32, #tpu.memory_space<vmem_shared>> -> memref<1000000xf32, #tpu.memory_space<vmem_shared>>
    tpu.enqueue_indirect_dma source(%dma_start3A_109 : memref<1000000xf32, #tpu.memory_space<vmem_shared>>) target(%dma_start3A_105 : memref<512xf32, #tpu.memory_space<vmem>>) offsets(%dma_start3A_107 : memref<512xi32, #tpu.memory_space<vmem>>) semaphore(%arg17 : memref<!tpu.dma_semaphore, #tpu.memory_space<semaphore_mem>>)
    %dma_wait3A_110 = arith.constant 0 : i32
    %dma_wait3A_111 = tpu.memref_slice %arg10[%dma_wait3A_110] : memref<1024xf32, #tpu.memory_space<vmem>> -> memref<512xf32, #tpu.memory_space<vmem>>
    %dma_wait3A_112 = arith.constant 0 : i32
    %dma_wait3A_113 = tpu.memref_slice %arg8[%dma_wait3A_112] : memref<1024xi32, #tpu.memory_space<vmem>> -> memref<512xi32, #tpu.memory_space<vmem>>
    %dma_wait3A_114 = arith.constant 0 : i32
    %dma_wait3A_115 = tpu.memref_slice %arg15[%dma_wait3A_114] : memref<1000000xf32, #tpu.memory_space<vmem_shared>> -> memref<1000000xf32, #tpu.memory_space<vmem_shared>>
    tpu.wait_indirect_dma semaphore(%arg17 : memref<!tpu.dma_semaphore, #tpu.memory_space<semaphore_mem>>) src(%dma_wait3A_115 : memref<1000000xf32, #tpu.memory_space<vmem_shared>>) dst(%dma_wait3A_111 : memref<512xf32, #tpu.memory_space<vmem>>)
    %dma_wait3A_116 = arith.constant 0 : i32
    %dma_wait3A_117 = tpu.memref_slice %arg11[%dma_wait3A_116] : memref<1024xf32, #tpu.memory_space<vmem>> -> memref<512xf32, #tpu.memory_space<vmem>>
    %dma_wait3A_118 = arith.constant 0 : i32
    %dma_wait3A_119 = tpu.memref_slice %arg9[%dma_wait3A_118] : memref<1024xi32, #tpu.memory_space<vmem>> -> memref<512xi32, #tpu.memory_space<vmem>>
    %dma_wait3A_120 = arith.constant 0 : i32
    %dma_wait3A_121 = tpu.memref_slice %arg15[%dma_wait3A_120] : memref<1000000xf32, #tpu.memory_space<vmem_shared>> -> memref<1000000xf32, #tpu.memory_space<vmem_shared>>
    tpu.wait_indirect_dma semaphore(%arg17 : memref<!tpu.dma_semaphore, #tpu.memory_space<semaphore_mem>>) src(%dma_wait3A_121 : memref<1000000xf32, #tpu.memory_space<vmem_shared>>) dst(%dma_wait3A_117 : memref<512xf32, #tpu.memory_space<vmem>>)
    %scan3A_122 = arith.constant 0 : i32
    %scan3A_123 = arith.constant 0 : i32
    %scan3A_124 = arith.constant 32 : i32
    %scan3A_125 = arith.addi %scan3A_123, %scan3A_124 : i32
    %scan3A_126 = arith.constant 1 : i32
    %scan3A_127 = scf.for %scan3A_598 = %scan3A_123 to %scan3A_125 step %scan3A_126 iter_args(%scan3A_599 = %scan3A_122) -> (i32)  : i32 {
      %mul3A_600 = arith.constant 16 : i32
      %mul3A_601 = arith.muli %scan3A_598, %mul3A_600 : i32
      %get3A = arith.index_cast %mul3A_601 : i32 to index
      %get3A_602 = tpu.vector_load %arg10[%get3A] {strides = array<i32>} : memref<1024xf32, #tpu.memory_space<vmem>>, vector<16xf32>,
      %get3A_603 = arith.index_cast %mul3A_601 : i32 to index
      %get3A_604 = tpu.vector_load %arg11[%get3A_603] {strides = array<i32>} : memref<1024xf32, #tpu.memory_space<vmem>>, vector<16xf32>,
      %mul3A_605 = arith.mulf %get3A_602, %get3A_604 : vector<16xf32>
      %get3A_606 = arith.index_cast %mul3A_601 : i32 to index
      %get3A_607 = tpu.vector_load %arg12[%get3A_606] {strides = array<i32>} : memref<1024xf32, #tpu.memory_space<vmem>>, vector<16xf32>,
      %add3A_608 = arith.addf %get3A_607, %mul3A_605 : vector<16xf32>
      %swap3A = arith.index_cast %mul3A_601 : i32 to index
      %swap3A_609 = tpu.vector_load %arg12[%swap3A] {strides = array<i32>} : memref<1024xf32, #tpu.memory_space<vmem>>, vector<16xf32>,
      tpu.vector_store %arg12[%swap3A], %add3A_608 {strides = array<i32>} : memref<1024xf32, #tpu.memory_space<vmem>>, vector<16xf32>,
      %scan3A_610 = arith.constant 0 : i32
      scf.yield %scan3A_610 : i32
    }
    %scan3A_128 = arith.constant 32 : i32
    %dma_wait3A_129 = arith.constant 512 : i32
    %dma_wait3A_130 = tpu.memref_slice %arg10[%dma_wait3A_129] : memref<1024xf32, #tpu.memory_space<vmem>> -> memref<512xf32, #tpu.memory_space<vmem>>
    %dma_wait3A_131 = arith.constant 512 : i32
    %dma_wait3A_132 = tpu.memref_slice %arg8[%dma_wait3A_131] : memref<1024xi32, #tpu.memory_space<vmem>> -> memref<512xi32, #tpu.memory_space<vmem>>
    %dma_wait3A_133 = arith.constant 0 : i32
    %dma_wait3A_134 = tpu.memref_slice %arg15[%dma_wait3A_133] : memref<1000000xf32, #tpu.memory_space<vmem_shared>> -> memref<1000000xf32, #tpu.memory_space<vmem_shared>>
    tpu.wait_indirect_dma semaphore(%arg17 : memref<!tpu.dma_semaphore, #tpu.memory_space<semaphore_mem>>) src(%dma_wait3A_134 : memref<1000000xf32, #tpu.memory_space<vmem_shared>>) dst(%dma_wait3A_130 : memref<512xf32, #tpu.memory_space<vmem>>)
    %dma_wait3A_135 = arith.constant 512 : i32
    %dma_wait3A_136 = tpu.memref_slice %arg11[%dma_wait3A_135] : memref<1024xf32, #tpu.memory_space<vmem>> -> memref<512xf32, #tpu.memory_space<vmem>>
    %dma_wait3A_137 = arith.constant 512 : i32
    %dma_wait3A_138 = tpu.memref_slice %arg9[%dma_wait3A_137] : memref<1024xi32, #tpu.memory_space<vmem>> -> memref<512xi32, #tpu.memory_space<vmem>>
    %dma_wait3A_139 = arith.constant 0 : i32
    %dma_wait3A_140 = tpu.memref_slice %arg15[%dma_wait3A_139] : memref<1000000xf32, #tpu.memory_space<vmem_shared>> -> memref<1000000xf32, #tpu.memory_space<vmem_shared>>
    tpu.wait_indirect_dma semaphore(%arg17 : memref<!tpu.dma_semaphore, #tpu.memory_space<semaphore_mem>>) src(%dma_wait3A_140 : memref<1000000xf32, #tpu.memory_space<vmem_shared>>) dst(%dma_wait3A_136 : memref<512xf32, #tpu.memory_space<vmem>>)
    %barrier3A_141 = arith.constant 0 : index
    tpu.barrier barrier_id(%barrier3A_141)
    %eq3A_142 = arith.constant 0 : i32
    %eq3A_143 = arith.cmpi eq, %arg1, %eq3A_142 : i32
    %convert_element_type3A_144 = arith.extui %eq3A_143 : i1 to i32
    %cond3A_145 = arith.constant 0 : i32
    %cond3A_146 = arith.cmpi ne, %convert_element_type3A_144, %cond3A_145 : i32
    scf.if %cond3A_146 {
      %add3A_598 = arith.constant 1 : i32
      %add3A_599 = arith.addi %mul3A_2, %add3A_598 : i32
      %add3A_600 = arith.constant 2 : i32
      %add3A_601 = arith.addi %add3A_599, %add3A_600 : i32
      %dma_start3A_602 = arith.constant 0 : i32
      %dma_start3A_603 = tpu.memref_slice %arg4[%add3A_601, %dma_start3A_602] : memref<16x1000000xf32, #tpu.memory_space<hbm>> -> memref<1x1000000xf32, #tpu.memory_space<hbm>>
      %dma_start3A_604 = tpu.memref_squeeze %dma_start3A_603 : memref<1x1000000xf32, #tpu.memory_space<hbm>> -> memref<1000000xf32, #tpu.memory_space<hbm>>
      tpu.enqueue_dma source(%dma_start3A_604 : memref<1000000xf32, #tpu.memory_space<hbm>>) target(%arg15 : memref<1000000xf32, #tpu.memory_space<vmem_shared>>) target_semaphore(%arg16 : memref<!tpu.dma_semaphore, #tpu.memory_space<semaphore_mem>>)
    } else {
    }
    %scan3A_147 = arith.constant 0 : i32
    %scan3A_148 = arith.constant 32 : i32
    %scan3A_149 = arith.constant 32 : i32
    %scan3A_150 = arith.addi %scan3A_148, %scan3A_149 : i32
    %scan3A_151 = arith.constant 1 : i32
    %scan3A_152 = scf.for %scan3A_598 = %scan3A_148 to %scan3A_150 step %scan3A_151 iter_args(%scan3A_599 = %scan3A_147) -> (i32)  : i32 {
      %mul3A_600 = arith.constant 16 : i32
      %mul3A_601 = arith.muli %scan3A_598, %mul3A_600 : i32
      %get3A = arith.index_cast %mul3A_601 : i32 to index
      %get3A_602 = tpu.vector_load %arg10[%get3A] {strides = array<i32>} : memref<1024xf32, #tpu.memory_space<vmem>>, vector<16xf32>,
      %get3A_603 = arith.index_cast %mul3A_601 : i32 to index
      %get3A_604 = tpu.vector_load %arg11[%get3A_603] {strides = array<i32>} : memref<1024xf32, #tpu.memory_space<vmem>>, vector<16xf32>,
      %mul3A_605 = arith.mulf %get3A_602, %get3A_604 : vector<16xf32>
      %get3A_606 = arith.index_cast %mul3A_601 : i32 to index
      %get3A_607 = tpu.vector_load %arg12[%get3A_606] {strides = array<i32>} : memref<1024xf32, #tpu.memory_space<vmem>>, vector<16xf32>,
      %add3A_608 = arith.addf %get3A_607, %mul3A_605 : vector<16xf32>
      %swap3A = arith.index_cast %mul3A_601 : i32 to index
      %swap3A_609 = tpu.vector_load %arg12[%swap3A] {strides = array<i32>} : memref<1024xf32, #tpu.memory_space<vmem>>, vector<16xf32>,
      tpu.vector_store %arg12[%swap3A], %add3A_608 {strides = array<i32>} : memref<1024xf32, #tpu.memory_space<vmem>>, vector<16xf32>,
      %scan3A_610 = arith.constant 0 : i32
      scf.yield %scan3A_610 : i32
    }
    %scan3A_153 = arith.constant 32 : i32
    %eq3A_154 = arith.constant 0 : i32
    %eq3A_155 = arith.cmpi eq, %arg1, %eq3A_154 : i32
    %convert_element_type3A_156 = arith.extui %eq3A_155 : i1 to i32
    %cond3A_157 = arith.constant 0 : i32
    %cond3A_158 = arith.cmpi ne, %convert_element_type3A_156, %cond3A_157 : i32
    scf.if %cond3A_158 {
      %add3A_598 = arith.constant 2 : i32
      %add3A_599 = arith.addi %mul3A_2, %add3A_598 : i32
      %dma_wait3A_600 = arith.constant 0 : i32
      %dma_wait3A_601 = tpu.memref_slice %arg4[%add3A_599, %dma_wait3A_600] : memref<16x1000000xf32, #tpu.memory_space<hbm>> -> memref<1x1000000xf32, #tpu.memory_space<hbm>>
      %dma_wait3A_602 = tpu.memref_squeeze %dma_wait3A_601 : memref<1x1000000xf32, #tpu.memory_space<hbm>> -> memref<1000000xf32, #tpu.memory_space<hbm>>
      tpu.wait_dma2 semaphore(%arg16 : memref<!tpu.dma_semaphore, #tpu.memory_space<semaphore_mem>>) src(%dma_wait3A_602 : memref<1000000xf32, #tpu.memory_space<hbm>>) dst(%arg14 : memref<1000000xf32, #tpu.memory_space<vmem_shared>>)
    } else {
    }
    %barrier3A_159 = arith.constant 0 : index
    tpu.barrier barrier_id(%barrier3A_159)
    %dma_start3A_160 = arith.constant 0 : i32
    %dma_start3A_161 = tpu.memref_slice %arg10[%dma_start3A_160] : memref<1024xf32, #tpu.memory_space<vmem>> -> memref<512xf32, #tpu.memory_space<vmem>>
    %dma_start3A_162 = arith.constant 0 : i32
    %dma_start3A_163 = tpu.memref_slice %arg8[%dma_start3A_162] : memref<1024xi32, #tpu.memory_space<vmem>> -> memref<512xi32, #tpu.memory_space<vmem>>
    %dma_start3A_164 = arith.constant 0 : i32
    %dma_start3A_165 = tpu.memref_slice %arg14[%dma_start3A_164] : memref<1000000xf32, #tpu.memory_space<vmem_shared>> -> memref<1000000xf32, #tpu.memory_space<vmem_shared>>
    tpu.enqueue_indirect_dma source(%dma_start3A_165 : memref<1000000xf32, #tpu.memory_space<vmem_shared>>) target(%dma_start3A_161 : memref<512xf32, #tpu.memory_space<vmem>>) offsets(%dma_start3A_163 : memref<512xi32, #tpu.memory_space<vmem>>) semaphore(%arg17 : memref<!tpu.dma_semaphore, #tpu.memory_space<semaphore_mem>>)
    %dma_start3A_166 = arith.constant 0 : i32
    %dma_start3A_167 = tpu.memref_slice %arg11[%dma_start3A_166] : memref<1024xf32, #tpu.memory_space<vmem>> -> memref<512xf32, #tpu.memory_space<vmem>>
    %dma_start3A_168 = arith.constant 0 : i32
    %dma_start3A_169 = tpu.memref_slice %arg9[%dma_start3A_168] : memref<1024xi32, #tpu.memory_space<vmem>> -> memref<512xi32, #tpu.memory_space<vmem>>
    %dma_start3A_170 = arith.constant 0 : i32
    %dma_start3A_171 = tpu.memref_slice %arg14[%dma_start3A_170] : memref<1000000xf32, #tpu.memory_space<vmem_shared>> -> memref<1000000xf32, #tpu.memory_space<vmem_shared>>
    tpu.enqueue_indirect_dma source(%dma_start3A_171 : memref<1000000xf32, #tpu.memory_space<vmem_shared>>) target(%dma_start3A_167 : memref<512xf32, #tpu.memory_space<vmem>>) offsets(%dma_start3A_169 : memref<512xi32, #tpu.memory_space<vmem>>) semaphore(%arg17 : memref<!tpu.dma_semaphore, #tpu.memory_space<semaphore_mem>>)
    %dma_start3A_172 = arith.constant 512 : i32
    %dma_start3A_173 = tpu.memref_slice %arg10[%dma_start3A_172] : memref<1024xf32, #tpu.memory_space<vmem>> -> memref<512xf32, #tpu.memory_space<vmem>>
    %dma_start3A_174 = arith.constant 512 : i32
    %dma_start3A_175 = tpu.memref_slice %arg8[%dma_start3A_174] : memref<1024xi32, #tpu.memory_space<vmem>> -> memref<512xi32, #tpu.memory_space<vmem>>
    %dma_start3A_176 = arith.constant 0 : i32
    %dma_start3A_177 = tpu.memref_slice %arg14[%dma_start3A_176] : memref<1000000xf32, #tpu.memory_space<vmem_shared>> -> memref<1000000xf32, #tpu.memory_space<vmem_shared>>
    tpu.enqueue_indirect_dma source(%dma_start3A_177 : memref<1000000xf32, #tpu.memory_space<vmem_shared>>) target(%dma_start3A_173 : memref<512xf32, #tpu.memory_space<vmem>>) offsets(%dma_start3A_175 : memref<512xi32, #tpu.memory_space<vmem>>) semaphore(%arg17 : memref<!tpu.dma_semaphore, #tpu.memory_space<semaphore_mem>>)
    %dma_start3A_178 = arith.constant 512 : i32
    %dma_start3A_179 = tpu.memref_slice %arg11[%dma_start3A_178] : memref<1024xf32, #tpu.memory_space<vmem>> -> memref<512xf32, #tpu.memory_space<vmem>>
    %dma_start3A_180 = arith.constant 512 : i32
    %dma_start3A_181 = tpu.memref_slice %arg9[%dma_start3A_180] : memref<1024xi32, #tpu.memory_space<vmem>> -> memref<512xi32, #tpu.memory_space<vmem>>
    %dma_start3A_182 = arith.constant 0 : i32
    %dma_start3A_183 = tpu.memref_slice %arg14[%dma_start3A_182] : memref<1000000xf32, #tpu.memory_space<vmem_shared>> -> memref<1000000xf32, #tpu.memory_space<vmem_shared>>
    tpu.enqueue_indirect_dma source(%dma_start3A_183 : memref<1000000xf32, #tpu.memory_space<vmem_shared>>) target(%dma_start3A_179 : memref<512xf32, #tpu.memory_space<vmem>>) offsets(%dma_start3A_181 : memref<512xi32, #tpu.memory_space<vmem>>) semaphore(%arg17 : memref<!tpu.dma_semaphore, #tpu.memory_space<semaphore_mem>>)
    %dma_wait3A_184 = arith.constant 0 : i32
    %dma_wait3A_185 = tpu.memref_slice %arg10[%dma_wait3A_184] : memref<1024xf32, #tpu.memory_space<vmem>> -> memref<512xf32, #tpu.memory_space<vmem>>
    %dma_wait3A_186 = arith.constant 0 : i32
    %dma_wait3A_187 = tpu.memref_slice %arg8[%dma_wait3A_186] : memref<1024xi32, #tpu.memory_space<vmem>> -> memref<512xi32, #tpu.memory_space<vmem>>
    %dma_wait3A_188 = arith.constant 0 : i32
    %dma_wait3A_189 = tpu.memref_slice %arg14[%dma_wait3A_188] : memref<1000000xf32, #tpu.memory_space<vmem_shared>> -> memref<1000000xf32, #tpu.memory_space<vmem_shared>>
    tpu.wait_indirect_dma semaphore(%arg17 : memref<!tpu.dma_semaphore, #tpu.memory_space<semaphore_mem>>) src(%dma_wait3A_189 : memref<1000000xf32, #tpu.memory_space<vmem_shared>>) dst(%dma_wait3A_185 : memref<512xf32, #tpu.memory_space<vmem>>)
    %dma_wait3A_190 = arith.constant 0 : i32
    %dma_wait3A_191 = tpu.memref_slice %arg11[%dma_wait3A_190] : memref<1024xf32, #tpu.memory_space<vmem>> -> memref<512xf32, #tpu.memory_space<vmem>>
    %dma_wait3A_192 = arith.constant 0 : i32
    %dma_wait3A_193 = tpu.memref_slice %arg9[%dma_wait3A_192] : memref<1024xi32, #tpu.memory_space<vmem>> -> memref<512xi32, #tpu.memory_space<vmem>>
    %dma_wait3A_194 = arith.constant 0 : i32
    %dma_wait3A_195 = tpu.memref_slice %arg14[%dma_wait3A_194] : memref<1000000xf32, #tpu.memory_space<vmem_shared>> -> memref<1000000xf32, #tpu.memory_space<vmem_shared>>
    tpu.wait_indirect_dma semaphore(%arg17 : memref<!tpu.dma_semaphore, #tpu.memory_space<semaphore_mem>>) src(%dma_wait3A_195 : memref<1000000xf32, #tpu.memory_space<vmem_shared>>) dst(%dma_wait3A_191 : memref<512xf32, #tpu.memory_space<vmem>>)
    %scan3A_196 = arith.constant 0 : i32
    %scan3A_197 = arith.constant 0 : i32
    %scan3A_198 = arith.constant 32 : i32
    %scan3A_199 = arith.addi %scan3A_197, %scan3A_198 : i32
    %scan3A_200 = arith.constant 1 : i32
    %scan3A_201 = scf.for %scan3A_598 = %scan3A_197 to %scan3A_199 step %scan3A_200 iter_args(%scan3A_599 = %scan3A_196) -> (i32)  : i32 {
      %mul3A_600 = arith.constant 16 : i32
      %mul3A_601 = arith.muli %scan3A_598, %mul3A_600 : i32
      %get3A = arith.index_cast %mul3A_601 : i32 to index
      %get3A_602 = tpu.vector_load %arg10[%get3A] {strides = array<i32>} : memref<1024xf32, #tpu.memory_space<vmem>>, vector<16xf32>,
      %get3A_603 = arith.index_cast %mul3A_601 : i32 to index
      %get3A_604 = tpu.vector_load %arg11[%get3A_603] {strides = array<i32>} : memref<1024xf32, #tpu.memory_space<vmem>>, vector<16xf32>,
      %mul3A_605 = arith.mulf %get3A_602, %get3A_604 : vector<16xf32>
      %get3A_606 = arith.index_cast %mul3A_601 : i32 to index
      %get3A_607 = tpu.vector_load %arg12[%get3A_606] {strides = array<i32>} : memref<1024xf32, #tpu.memory_space<vmem>>, vector<16xf32>,
      %add3A_608 = arith.addf %get3A_607, %mul3A_605 : vector<16xf32>
      %swap3A = arith.index_cast %mul3A_601 : i32 to index
      %swap3A_609 = tpu.vector_load %arg12[%swap3A] {strides = array<i32>} : memref<1024xf32, #tpu.memory_space<vmem>>, vector<16xf32>,
      tpu.vector_store %arg12[%swap3A], %add3A_608 {strides = array<i32>} : memref<1024xf32, #tpu.memory_space<vmem>>, vector<16xf32>,
      %scan3A_610 = arith.constant 0 : i32
      scf.yield %scan3A_610 : i32
    }
    %scan3A_202 = arith.constant 32 : i32
    %dma_wait3A_203 = arith.constant 512 : i32
    %dma_wait3A_204 = tpu.memref_slice %arg10[%dma_wait3A_203] : memref<1024xf32, #tpu.memory_space<vmem>> -> memref<512xf32, #tpu.memory_space<vmem>>
    %dma_wait3A_205 = arith.constant 512 : i32
    %dma_wait3A_206 = tpu.memref_slice %arg8[%dma_wait3A_205] : memref<1024xi32, #tpu.memory_space<vmem>> -> memref<512xi32, #tpu.memory_space<vmem>>
    %dma_wait3A_207 = arith.constant 0 : i32
    %dma_wait3A_208 = tpu.memref_slice %arg14[%dma_wait3A_207] : memref<1000000xf32, #tpu.memory_space<vmem_shared>> -> memref<1000000xf32, #tpu.memory_space<vmem_shared>>
    tpu.wait_indirect_dma semaphore(%arg17 : memref<!tpu.dma_semaphore, #tpu.memory_space<semaphore_mem>>) src(%dma_wait3A_208 : memref<1000000xf32, #tpu.memory_space<vmem_shared>>) dst(%dma_wait3A_204 : memref<512xf32, #tpu.memory_space<vmem>>)
    %dma_wait3A_209 = arith.constant 512 : i32
    %dma_wait3A_210 = tpu.memref_slice %arg11[%dma_wait3A_209] : memref<1024xf32, #tpu.memory_space<vmem>> -> memref<512xf32, #tpu.memory_space<vmem>>
    %dma_wait3A_211 = arith.constant 512 : i32
    %dma_wait3A_212 = tpu.memref_slice %arg9[%dma_wait3A_211] : memref<1024xi32, #tpu.memory_space<vmem>> -> memref<512xi32, #tpu.memory_space<vmem>>
    %dma_wait3A_213 = arith.constant 0 : i32
    %dma_wait3A_214 = tpu.memref_slice %arg14[%dma_wait3A_213] : memref<1000000xf32, #tpu.memory_space<vmem_shared>> -> memref<1000000xf32, #tpu.memory_space<vmem_shared>>
    tpu.wait_indirect_dma semaphore(%arg17 : memref<!tpu.dma_semaphore, #tpu.memory_space<semaphore_mem>>) src(%dma_wait3A_214 : memref<1000000xf32, #tpu.memory_space<vmem_shared>>) dst(%dma_wait3A_210 : memref<512xf32, #tpu.memory_space<vmem>>)
    %barrier3A_215 = arith.constant 0 : index
    tpu.barrier barrier_id(%barrier3A_215)
    %eq3A_216 = arith.constant 0 : i32
    %eq3A_217 = arith.cmpi eq, %arg1, %eq3A_216 : i32
    %convert_element_type3A_218 = arith.extui %eq3A_217 : i1 to i32
    %cond3A_219 = arith.constant 0 : i32
    %cond3A_220 = arith.cmpi ne, %convert_element_type3A_218, %cond3A_219 : i32
    scf.if %cond3A_220 {
      %add3A_598 = arith.constant 2 : i32
      %add3A_599 = arith.addi %mul3A_2, %add3A_598 : i32
      %add3A_600 = arith.constant 2 : i32
      %add3A_601 = arith.addi %add3A_599, %add3A_600 : i32
      %dma_start3A_602 = arith.constant 0 : i32
      %dma_start3A_603 = tpu.memref_slice %arg4[%add3A_601, %dma_start3A_602] : memref<16x1000000xf32, #tpu.memory_space<hbm>> -> memref<1x1000000xf32, #tpu.memory_space<hbm>>
      %dma_start3A_604 = tpu.memref_squeeze %dma_start3A_603 : memref<1x1000000xf32, #tpu.memory_space<hbm>> -> memref<1000000xf32, #tpu.memory_space<hbm>>
      tpu.enqueue_dma source(%dma_start3A_604 : memref<1000000xf32, #tpu.memory_space<hbm>>) target(%arg14 : memref<1000000xf32, #tpu.memory_space<vmem_shared>>) target_semaphore(%arg16 : memref<!tpu.dma_semaphore, #tpu.memory_space<semaphore_mem>>)
    } else {
    }
    %scan3A_221 = arith.constant 0 : i32
    %scan3A_222 = arith.constant 32 : i32
    %scan3A_223 = arith.constant 32 : i32
    %scan3A_224 = arith.addi %scan3A_222, %scan3A_223 : i32
    %scan3A_225 = arith.constant 1 : i32
    %scan3A_226 = scf.for %scan3A_598 = %scan3A_222 to %scan3A_224 step %scan3A_225 iter_args(%scan3A_599 = %scan3A_221) -> (i32)  : i32 {
      %mul3A_600 = arith.constant 16 : i32
      %mul3A_601 = arith.muli %scan3A_598, %mul3A_600 : i32
      %get3A = arith.index_cast %mul3A_601 : i32 to index
      %get3A_602 = tpu.vector_load %arg10[%get3A] {strides = array<i32>} : memref<1024xf32, #tpu.memory_space<vmem>>, vector<16xf32>,
      %get3A_603 = arith.index_cast %mul3A_601 : i32 to index
      %get3A_604 = tpu.vector_load %arg11[%get3A_603] {strides = array<i32>} : memref<1024xf32, #tpu.memory_space<vmem>>, vector<16xf32>,
      %mul3A_605 = arith.mulf %get3A_602, %get3A_604 : vector<16xf32>
      %get3A_606 = arith.index_cast %mul3A_601 : i32 to index
      %get3A_607 = tpu.vector_load %arg12[%get3A_606] {strides = array<i32>} : memref<1024xf32, #tpu.memory_space<vmem>>, vector<16xf32>,
      %add3A_608 = arith.addf %get3A_607, %mul3A_605 : vector<16xf32>
      %swap3A = arith.index_cast %mul3A_601 : i32 to index
      %swap3A_609 = tpu.vector_load %arg12[%swap3A] {strides = array<i32>} : memref<1024xf32, #tpu.memory_space<vmem>>, vector<16xf32>,
      tpu.vector_store %arg12[%swap3A], %add3A_608 {strides = array<i32>} : memref<1024xf32, #tpu.memory_space<vmem>>, vector<16xf32>,
      %scan3A_610 = arith.constant 0 : i32
      scf.yield %scan3A_610 : i32
    }
    %scan3A_227 = arith.constant 32 : i32
    %eq3A_228 = arith.constant 0 : i32
    %eq3A_229 = arith.cmpi eq, %arg1, %eq3A_228 : i32
    %convert_element_type3A_230 = arith.extui %eq3A_229 : i1 to i32
    %cond3A_231 = arith.constant 0 : i32
    %cond3A_232 = arith.cmpi ne, %convert_element_type3A_230, %cond3A_231 : i32
    scf.if %cond3A_232 {
      %add3A_598 = arith.constant 3 : i32
      %add3A_599 = arith.addi %mul3A_2, %add3A_598 : i32
      %dma_wait3A_600 = arith.constant 0 : i32
      %dma_wait3A_601 = tpu.memref_slice %arg4[%add3A_599, %dma_wait3A_600] : memref<16x1000000xf32, #tpu.memory_space<hbm>> -> memref<1x1000000xf32, #tpu.memory_space<hbm>>
      %dma_wait3A_602 = tpu.memref_squeeze %dma_wait3A_601 : memref<1x1000000xf32, #tpu.memory_space<hbm>> -> memref<1000000xf32, #tpu.memory_space<hbm>>
      tpu.wait_dma2 semaphore(%arg16 : memref<!tpu.dma_semaphore, #tpu.memory_space<semaphore_mem>>) src(%dma_wait3A_602 : memref<1000000xf32, #tpu.memory_space<hbm>>) dst(%arg15 : memref<1000000xf32, #tpu.memory_space<vmem_shared>>)
    } else {
    }
    %barrier3A_233 = arith.constant 0 : index
    tpu.barrier barrier_id(%barrier3A_233)
    %dma_start3A_234 = arith.constant 0 : i32
    %dma_start3A_235 = tpu.memref_slice %arg10[%dma_start3A_234] : memref<1024xf32, #tpu.memory_space<vmem>> -> memref<512xf32, #tpu.memory_space<vmem>>
    %dma_start3A_236 = arith.constant 0 : i32
    %dma_start3A_237 = tpu.memref_slice %arg8[%dma_start3A_236] : memref<1024xi32, #tpu.memory_space<vmem>> -> memref<512xi32, #tpu.memory_space<vmem>>
    %dma_start3A_238 = arith.constant 0 : i32
    %dma_start3A_239 = tpu.memref_slice %arg15[%dma_start3A_238] : memref<1000000xf32, #tpu.memory_space<vmem_shared>> -> memref<1000000xf32, #tpu.memory_space<vmem_shared>>
    tpu.enqueue_indirect_dma source(%dma_start3A_239 : memref<1000000xf32, #tpu.memory_space<vmem_shared>>) target(%dma_start3A_235 : memref<512xf32, #tpu.memory_space<vmem>>) offsets(%dma_start3A_237 : memref<512xi32, #tpu.memory_space<vmem>>) semaphore(%arg17 : memref<!tpu.dma_semaphore, #tpu.memory_space<semaphore_mem>>)
    %dma_start3A_240 = arith.constant 0 : i32
    %dma_start3A_241 = tpu.memref_slice %arg11[%dma_start3A_240] : memref<1024xf32, #tpu.memory_space<vmem>> -> memref<512xf32, #tpu.memory_space<vmem>>
    %dma_start3A_242 = arith.constant 0 : i32
    %dma_start3A_243 = tpu.memref_slice %arg9[%dma_start3A_242] : memref<1024xi32, #tpu.memory_space<vmem>> -> memref<512xi32, #tpu.memory_space<vmem>>
    %dma_start3A_244 = arith.constant 0 : i32
    %dma_start3A_245 = tpu.memref_slice %arg15[%dma_start3A_244] : memref<1000000xf32, #tpu.memory_space<vmem_shared>> -> memref<1000000xf32, #tpu.memory_space<vmem_shared>>
    tpu.enqueue_indirect_dma source(%dma_start3A_245 : memref<1000000xf32, #tpu.memory_space<vmem_shared>>) target(%dma_start3A_241 : memref<512xf32, #tpu.memory_space<vmem>>) offsets(%dma_start3A_243 : memref<512xi32, #tpu.memory_space<vmem>>) semaphore(%arg17 : memref<!tpu.dma_semaphore, #tpu.memory_space<semaphore_mem>>)
    %dma_start3A_246 = arith.constant 512 : i32
    %dma_start3A_247 = tpu.memref_slice %arg10[%dma_start3A_246] : memref<1024xf32, #tpu.memory_space<vmem>> -> memref<512xf32, #tpu.memory_space<vmem>>
    %dma_start3A_248 = arith.constant 512 : i32
    %dma_start3A_249 = tpu.memref_slice %arg8[%dma_start3A_248] : memref<1024xi32, #tpu.memory_space<vmem>> -> memref<512xi32, #tpu.memory_space<vmem>>
    %dma_start3A_250 = arith.constant 0 : i32
    %dma_start3A_251 = tpu.memref_slice %arg15[%dma_start3A_250] : memref<1000000xf32, #tpu.memory_space<vmem_shared>> -> memref<1000000xf32, #tpu.memory_space<vmem_shared>>
    tpu.enqueue_indirect_dma source(%dma_start3A_251 : memref<1000000xf32, #tpu.memory_space<vmem_shared>>) target(%dma_start3A_247 : memref<512xf32, #tpu.memory_space<vmem>>) offsets(%dma_start3A_249 : memref<512xi32, #tpu.memory_space<vmem>>) semaphore(%arg17 : memref<!tpu.dma_semaphore, #tpu.memory_space<semaphore_mem>>)
    %dma_start3A_252 = arith.constant 512 : i32
    %dma_start3A_253 = tpu.memref_slice %arg11[%dma_start3A_252] : memref<1024xf32, #tpu.memory_space<vmem>> -> memref<512xf32, #tpu.memory_space<vmem>>
    %dma_start3A_254 = arith.constant 512 : i32
    %dma_start3A_255 = tpu.memref_slice %arg9[%dma_start3A_254] : memref<1024xi32, #tpu.memory_space<vmem>> -> memref<512xi32, #tpu.memory_space<vmem>>
    %dma_start3A_256 = arith.constant 0 : i32
    %dma_start3A_257 = tpu.memref_slice %arg15[%dma_start3A_256] : memref<1000000xf32, #tpu.memory_space<vmem_shared>> -> memref<1000000xf32, #tpu.memory_space<vmem_shared>>
    tpu.enqueue_indirect_dma source(%dma_start3A_257 : memref<1000000xf32, #tpu.memory_space<vmem_shared>>) target(%dma_start3A_253 : memref<512xf32, #tpu.memory_space<vmem>>) offsets(%dma_start3A_255 : memref<512xi32, #tpu.memory_space<vmem>>) semaphore(%arg17 : memref<!tpu.dma_semaphore, #tpu.memory_space<semaphore_mem>>)
    %dma_wait3A_258 = arith.constant 0 : i32
    %dma_wait3A_259 = tpu.memref_slice %arg10[%dma_wait3A_258] : memref<1024xf32, #tpu.memory_space<vmem>> -> memref<512xf32, #tpu.memory_space<vmem>>
    %dma_wait3A_260 = arith.constant 0 : i32
    %dma_wait3A_261 = tpu.memref_slice %arg8[%dma_wait3A_260] : memref<1024xi32, #tpu.memory_space<vmem>> -> memref<512xi32, #tpu.memory_space<vmem>>
    %dma_wait3A_262 = arith.constant 0 : i32
    %dma_wait3A_263 = tpu.memref_slice %arg15[%dma_wait3A_262] : memref<1000000xf32, #tpu.memory_space<vmem_shared>> -> memref<1000000xf32, #tpu.memory_space<vmem_shared>>
    tpu.wait_indirect_dma semaphore(%arg17 : memref<!tpu.dma_semaphore, #tpu.memory_space<semaphore_mem>>) src(%dma_wait3A_263 : memref<1000000xf32, #tpu.memory_space<vmem_shared>>) dst(%dma_wait3A_259 : memref<512xf32, #tpu.memory_space<vmem>>)
    %dma_wait3A_264 = arith.constant 0 : i32
    %dma_wait3A_265 = tpu.memref_slice %arg11[%dma_wait3A_264] : memref<1024xf32, #tpu.memory_space<vmem>> -> memref<512xf32, #tpu.memory_space<vmem>>
    %dma_wait3A_266 = arith.constant 0 : i32
    %dma_wait3A_267 = tpu.memref_slice %arg9[%dma_wait3A_266] : memref<1024xi32, #tpu.memory_space<vmem>> -> memref<512xi32, #tpu.memory_space<vmem>>
    %dma_wait3A_268 = arith.constant 0 : i32
    %dma_wait3A_269 = tpu.memref_slice %arg15[%dma_wait3A_268] : memref<1000000xf32, #tpu.memory_space<vmem_shared>> -> memref<1000000xf32, #tpu.memory_space<vmem_shared>>
    tpu.wait_indirect_dma semaphore(%arg17 : memref<!tpu.dma_semaphore, #tpu.memory_space<semaphore_mem>>) src(%dma_wait3A_269 : memref<1000000xf32, #tpu.memory_space<vmem_shared>>) dst(%dma_wait3A_265 : memref<512xf32, #tpu.memory_space<vmem>>)
    %scan3A_270 = arith.constant 0 : i32
    %scan3A_271 = arith.constant 0 : i32
    %scan3A_272 = arith.constant 32 : i32
    %scan3A_273 = arith.addi %scan3A_271, %scan3A_272 : i32
    %scan3A_274 = arith.constant 1 : i32
    %scan3A_275 = scf.for %scan3A_598 = %scan3A_271 to %scan3A_273 step %scan3A_274 iter_args(%scan3A_599 = %scan3A_270) -> (i32)  : i32 {
      %mul3A_600 = arith.constant 16 : i32
      %mul3A_601 = arith.muli %scan3A_598, %mul3A_600 : i32
      %get3A = arith.index_cast %mul3A_601 : i32 to index
      %get3A_602 = tpu.vector_load %arg10[%get3A] {strides = array<i32>} : memref<1024xf32, #tpu.memory_space<vmem>>, vector<16xf32>,
      %get3A_603 = arith.index_cast %mul3A_601 : i32 to index
      %get3A_604 = tpu.vector_load %arg11[%get3A_603] {strides = array<i32>} : memref<1024xf32, #tpu.memory_space<vmem>>, vector<16xf32>,
      %mul3A_605 = arith.mulf %get3A_602, %get3A_604 : vector<16xf32>
      %get3A_606 = arith.index_cast %mul3A_601 : i32 to index
      %get3A_607 = tpu.vector_load %arg12[%get3A_606] {strides = array<i32>} : memref<1024xf32, #tpu.memory_space<vmem>>, vector<16xf32>,
      %add3A_608 = arith.addf %get3A_607, %mul3A_605 : vector<16xf32>
      %swap3A = arith.index_cast %mul3A_601 : i32 to index
      %swap3A_609 = tpu.vector_load %arg12[%swap3A] {strides = array<i32>} : memref<1024xf32, #tpu.memory_space<vmem>>, vector<16xf32>,
      tpu.vector_store %arg12[%swap3A], %add3A_608 {strides = array<i32>} : memref<1024xf32, #tpu.memory_space<vmem>>, vector<16xf32>,
      %scan3A_610 = arith.constant 0 : i32
      scf.yield %scan3A_610 : i32
    }
    %scan3A_276 = arith.constant 32 : i32
    %dma_wait3A_277 = arith.constant 512 : i32
    %dma_wait3A_278 = tpu.memref_slice %arg10[%dma_wait3A_277] : memref<1024xf32, #tpu.memory_space<vmem>> -> memref<512xf32, #tpu.memory_space<vmem>>
    %dma_wait3A_279 = arith.constant 512 : i32
    %dma_wait3A_280 = tpu.memref_slice %arg8[%dma_wait3A_279] : memref<1024xi32, #tpu.memory_space<vmem>> -> memref<512xi32, #tpu.memory_space<vmem>>
    %dma_wait3A_281 = arith.constant 0 : i32
    %dma_wait3A_282 = tpu.memref_slice %arg15[%dma_wait3A_281] : memref<1000000xf32, #tpu.memory_space<vmem_shared>> -> memref<1000000xf32, #tpu.memory_space<vmem_shared>>
    tpu.wait_indirect_dma semaphore(%arg17 : memref<!tpu.dma_semaphore, #tpu.memory_space<semaphore_mem>>) src(%dma_wait3A_282 : memref<1000000xf32, #tpu.memory_space<vmem_shared>>) dst(%dma_wait3A_278 : memref<512xf32, #tpu.memory_space<vmem>>)
    %dma_wait3A_283 = arith.constant 512 : i32
    %dma_wait3A_284 = tpu.memref_slice %arg11[%dma_wait3A_283] : memref<1024xf32, #tpu.memory_space<vmem>> -> memref<512xf32, #tpu.memory_space<vmem>>
    %dma_wait3A_285 = arith.constant 512 : i32
    %dma_wait3A_286 = tpu.memref_slice %arg9[%dma_wait3A_285] : memref<1024xi32, #tpu.memory_space<vmem>> -> memref<512xi32, #tpu.memory_space<vmem>>
    %dma_wait3A_287 = arith.constant 0 : i32
    %dma_wait3A_288 = tpu.memref_slice %arg15[%dma_wait3A_287] : memref<1000000xf32, #tpu.memory_space<vmem_shared>> -> memref<1000000xf32, #tpu.memory_space<vmem_shared>>
    tpu.wait_indirect_dma semaphore(%arg17 : memref<!tpu.dma_semaphore, #tpu.memory_space<semaphore_mem>>) src(%dma_wait3A_288 : memref<1000000xf32, #tpu.memory_space<vmem_shared>>) dst(%dma_wait3A_284 : memref<512xf32, #tpu.memory_space<vmem>>)
    %barrier3A_289 = arith.constant 0 : index
    tpu.barrier barrier_id(%barrier3A_289)
    %eq3A_290 = arith.constant 0 : i32
    %eq3A_291 = arith.cmpi eq, %arg1, %eq3A_290 : i32
    %convert_element_type3A_292 = arith.extui %eq3A_291 : i1 to i32
    %cond3A_293 = arith.constant 0 : i32
    %cond3A_294 = arith.cmpi ne, %convert_element_type3A_292, %cond3A_293 : i32
    scf.if %cond3A_294 {
      %add3A_598 = arith.constant 3 : i32
      %add3A_599 = arith.addi %mul3A_2, %add3A_598 : i32
      %add3A_600 = arith.constant 2 : i32
      %add3A_601 = arith.addi %add3A_599, %add3A_600 : i32
      %dma_start3A_602 = arith.constant 0 : i32
      %dma_start3A_603 = tpu.memref_slice %arg4[%add3A_601, %dma_start3A_602] : memref<16x1000000xf32, #tpu.memory_space<hbm>> -> memref<1x1000000xf32, #tpu.memory_space<hbm>>
      %dma_start3A_604 = tpu.memref_squeeze %dma_start3A_603 : memref<1x1000000xf32, #tpu.memory_space<hbm>> -> memref<1000000xf32, #tpu.memory_space<hbm>>
      tpu.enqueue_dma source(%dma_start3A_604 : memref<1000000xf32, #tpu.memory_space<hbm>>) target(%arg15 : memref<1000000xf32, #tpu.memory_space<vmem_shared>>) target_semaphore(%arg16 : memref<!tpu.dma_semaphore, #tpu.memory_space<semaphore_mem>>)
    } else {
    }
    %scan3A_295 = arith.constant 0 : i32
    %scan3A_296 = arith.constant 32 : i32
    %scan3A_297 = arith.constant 32 : i32
    %scan3A_298 = arith.addi %scan3A_296, %scan3A_297 : i32
    %scan3A_299 = arith.constant 1 : i32
    %scan3A_300 = scf.for %scan3A_598 = %scan3A_296 to %scan3A_298 step %scan3A_299 iter_args(%scan3A_599 = %scan3A_295) -> (i32)  : i32 {
      %mul3A_600 = arith.constant 16 : i32
      %mul3A_601 = arith.muli %scan3A_598, %mul3A_600 : i32
      %get3A = arith.index_cast %mul3A_601 : i32 to index
      %get3A_602 = tpu.vector_load %arg10[%get3A] {strides = array<i32>} : memref<1024xf32, #tpu.memory_space<vmem>>, vector<16xf32>,
      %get3A_603 = arith.index_cast %mul3A_601 : i32 to index
      %get3A_604 = tpu.vector_load %arg11[%get3A_603] {strides = array<i32>} : memref<1024xf32, #tpu.memory_space<vmem>>, vector<16xf32>,
      %mul3A_605 = arith.mulf %get3A_602, %get3A_604 : vector<16xf32>
      %get3A_606 = arith.index_cast %mul3A_601 : i32 to index
      %get3A_607 = tpu.vector_load %arg12[%get3A_606] {strides = array<i32>} : memref<1024xf32, #tpu.memory_space<vmem>>, vector<16xf32>,
      %add3A_608 = arith.addf %get3A_607, %mul3A_605 : vector<16xf32>
      %swap3A = arith.index_cast %mul3A_601 : i32 to index
      %swap3A_609 = tpu.vector_load %arg12[%swap3A] {strides = array<i32>} : memref<1024xf32, #tpu.memory_space<vmem>>, vector<16xf32>,
      tpu.vector_store %arg12[%swap3A], %add3A_608 {strides = array<i32>} : memref<1024xf32, #tpu.memory_space<vmem>>, vector<16xf32>,
      %scan3A_610 = arith.constant 0 : i32
      scf.yield %scan3A_610 : i32
    }
    %scan3A_301 = arith.constant 32 : i32
    %eq3A_302 = arith.constant 0 : i32
    %eq3A_303 = arith.cmpi eq, %arg1, %eq3A_302 : i32
    %convert_element_type3A_304 = arith.extui %eq3A_303 : i1 to i32
    %cond3A_305 = arith.constant 0 : i32
    %cond3A_306 = arith.cmpi ne, %convert_element_type3A_304, %cond3A_305 : i32
    scf.if %cond3A_306 {
      %add3A_598 = arith.constant 4 : i32
      %add3A_599 = arith.addi %mul3A_2, %add3A_598 : i32
      %dma_wait3A_600 = arith.constant 0 : i32
      %dma_wait3A_601 = tpu.memref_slice %arg4[%add3A_599, %dma_wait3A_600] : memref<16x1000000xf32, #tpu.memory_space<hbm>> -> memref<1x1000000xf32, #tpu.memory_space<hbm>>
      %dma_wait3A_602 = tpu.memref_squeeze %dma_wait3A_601 : memref<1x1000000xf32, #tpu.memory_space<hbm>> -> memref<1000000xf32, #tpu.memory_space<hbm>>
      tpu.wait_dma2 semaphore(%arg16 : memref<!tpu.dma_semaphore, #tpu.memory_space<semaphore_mem>>) src(%dma_wait3A_602 : memref<1000000xf32, #tpu.memory_space<hbm>>) dst(%arg14 : memref<1000000xf32, #tpu.memory_space<vmem_shared>>)
    } else {
    }
    %barrier3A_307 = arith.constant 0 : index
    tpu.barrier barrier_id(%barrier3A_307)
    %dma_start3A_308 = arith.constant 0 : i32
    %dma_start3A_309 = tpu.memref_slice %arg10[%dma_start3A_308] : memref<1024xf32, #tpu.memory_space<vmem>> -> memref<512xf32, #tpu.memory_space<vmem>>
    %dma_start3A_310 = arith.constant 0 : i32
    %dma_start3A_311 = tpu.memref_slice %arg8[%dma_start3A_310] : memref<1024xi32, #tpu.memory_space<vmem>> -> memref<512xi32, #tpu.memory_space<vmem>>
    %dma_start3A_312 = arith.constant 0 : i32
    %dma_start3A_313 = tpu.memref_slice %arg14[%dma_start3A_312] : memref<1000000xf32, #tpu.memory_space<vmem_shared>> -> memref<1000000xf32, #tpu.memory_space<vmem_shared>>
    tpu.enqueue_indirect_dma source(%dma_start3A_313 : memref<1000000xf32, #tpu.memory_space<vmem_shared>>) target(%dma_start3A_309 : memref<512xf32, #tpu.memory_space<vmem>>) offsets(%dma_start3A_311 : memref<512xi32, #tpu.memory_space<vmem>>) semaphore(%arg17 : memref<!tpu.dma_semaphore, #tpu.memory_space<semaphore_mem>>)
    %dma_start3A_314 = arith.constant 0 : i32
    %dma_start3A_315 = tpu.memref_slice %arg11[%dma_start3A_314] : memref<1024xf32, #tpu.memory_space<vmem>> -> memref<512xf32, #tpu.memory_space<vmem>>
    %dma_start3A_316 = arith.constant 0 : i32
    %dma_start3A_317 = tpu.memref_slice %arg9[%dma_start3A_316] : memref<1024xi32, #tpu.memory_space<vmem>> -> memref<512xi32, #tpu.memory_space<vmem>>
    %dma_start3A_318 = arith.constant 0 : i32
    %dma_start3A_319 = tpu.memref_slice %arg14[%dma_start3A_318] : memref<1000000xf32, #tpu.memory_space<vmem_shared>> -> memref<1000000xf32, #tpu.memory_space<vmem_shared>>
    tpu.enqueue_indirect_dma source(%dma_start3A_319 : memref<1000000xf32, #tpu.memory_space<vmem_shared>>) target(%dma_start3A_315 : memref<512xf32, #tpu.memory_space<vmem>>) offsets(%dma_start3A_317 : memref<512xi32, #tpu.memory_space<vmem>>) semaphore(%arg17 : memref<!tpu.dma_semaphore, #tpu.memory_space<semaphore_mem>>)
    %dma_start3A_320 = arith.constant 512 : i32
    %dma_start3A_321 = tpu.memref_slice %arg10[%dma_start3A_320] : memref<1024xf32, #tpu.memory_space<vmem>> -> memref<512xf32, #tpu.memory_space<vmem>>
    %dma_start3A_322 = arith.constant 512 : i32
    %dma_start3A_323 = tpu.memref_slice %arg8[%dma_start3A_322] : memref<1024xi32, #tpu.memory_space<vmem>> -> memref<512xi32, #tpu.memory_space<vmem>>
    %dma_start3A_324 = arith.constant 0 : i32
    %dma_start3A_325 = tpu.memref_slice %arg14[%dma_start3A_324] : memref<1000000xf32, #tpu.memory_space<vmem_shared>> -> memref<1000000xf32, #tpu.memory_space<vmem_shared>>
    tpu.enqueue_indirect_dma source(%dma_start3A_325 : memref<1000000xf32, #tpu.memory_space<vmem_shared>>) target(%dma_start3A_321 : memref<512xf32, #tpu.memory_space<vmem>>) offsets(%dma_start3A_323 : memref<512xi32, #tpu.memory_space<vmem>>) semaphore(%arg17 : memref<!tpu.dma_semaphore, #tpu.memory_space<semaphore_mem>>)
    %dma_start3A_326 = arith.constant 512 : i32
    %dma_start3A_327 = tpu.memref_slice %arg11[%dma_start3A_326] : memref<1024xf32, #tpu.memory_space<vmem>> -> memref<512xf32, #tpu.memory_space<vmem>>
    %dma_start3A_328 = arith.constant 512 : i32
    %dma_start3A_329 = tpu.memref_slice %arg9[%dma_start3A_328] : memref<1024xi32, #tpu.memory_space<vmem>> -> memref<512xi32, #tpu.memory_space<vmem>>
    %dma_start3A_330 = arith.constant 0 : i32
    %dma_start3A_331 = tpu.memref_slice %arg14[%dma_start3A_330] : memref<1000000xf32, #tpu.memory_space<vmem_shared>> -> memref<1000000xf32, #tpu.memory_space<vmem_shared>>
    tpu.enqueue_indirect_dma source(%dma_start3A_331 : memref<1000000xf32, #tpu.memory_space<vmem_shared>>) target(%dma_start3A_327 : memref<512xf32, #tpu.memory_space<vmem>>) offsets(%dma_start3A_329 : memref<512xi32, #tpu.memory_space<vmem>>) semaphore(%arg17 : memref<!tpu.dma_semaphore, #tpu.memory_space<semaphore_mem>>)
    %dma_wait3A_332 = arith.constant 0 : i32
    %dma_wait3A_333 = tpu.memref_slice %arg10[%dma_wait3A_332] : memref<1024xf32, #tpu.memory_space<vmem>> -> memref<512xf32, #tpu.memory_space<vmem>>
    %dma_wait3A_334 = arith.constant 0 : i32
    %dma_wait3A_335 = tpu.memref_slice %arg8[%dma_wait3A_334] : memref<1024xi32, #tpu.memory_space<vmem>> -> memref<512xi32, #tpu.memory_space<vmem>>
    %dma_wait3A_336 = arith.constant 0 : i32
    %dma_wait3A_337 = tpu.memref_slice %arg14[%dma_wait3A_336] : memref<1000000xf32, #tpu.memory_space<vmem_shared>> -> memref<1000000xf32, #tpu.memory_space<vmem_shared>>
    tpu.wait_indirect_dma semaphore(%arg17 : memref<!tpu.dma_semaphore, #tpu.memory_space<semaphore_mem>>) src(%dma_wait3A_337 : memref<1000000xf32, #tpu.memory_space<vmem_shared>>) dst(%dma_wait3A_333 : memref<512xf32, #tpu.memory_space<vmem>>)
    %dma_wait3A_338 = arith.constant 0 : i32
    %dma_wait3A_339 = tpu.memref_slice %arg11[%dma_wait3A_338] : memref<1024xf32, #tpu.memory_space<vmem>> -> memref<512xf32, #tpu.memory_space<vmem>>
    %dma_wait3A_340 = arith.constant 0 : i32
    %dma_wait3A_341 = tpu.memref_slice %arg9[%dma_wait3A_340] : memref<1024xi32, #tpu.memory_space<vmem>> -> memref<512xi32, #tpu.memory_space<vmem>>
    %dma_wait3A_342 = arith.constant 0 : i32
    %dma_wait3A_343 = tpu.memref_slice %arg14[%dma_wait3A_342] : memref<1000000xf32, #tpu.memory_space<vmem_shared>> -> memref<1000000xf32, #tpu.memory_space<vmem_shared>>
    tpu.wait_indirect_dma semaphore(%arg17 : memref<!tpu.dma_semaphore, #tpu.memory_space<semaphore_mem>>) src(%dma_wait3A_343 : memref<1000000xf32, #tpu.memory_space<vmem_shared>>) dst(%dma_wait3A_339 : memref<512xf32, #tpu.memory_space<vmem>>)
    %scan3A_344 = arith.constant 0 : i32
    %scan3A_345 = arith.constant 0 : i32
    %scan3A_346 = arith.constant 32 : i32
    %scan3A_347 = arith.addi %scan3A_345, %scan3A_346 : i32
    %scan3A_348 = arith.constant 1 : i32
    %scan3A_349 = scf.for %scan3A_598 = %scan3A_345 to %scan3A_347 step %scan3A_348 iter_args(%scan3A_599 = %scan3A_344) -> (i32)  : i32 {
      %mul3A_600 = arith.constant 16 : i32
      %mul3A_601 = arith.muli %scan3A_598, %mul3A_600 : i32
      %get3A = arith.index_cast %mul3A_601 : i32 to index
      %get3A_602 = tpu.vector_load %arg10[%get3A] {strides = array<i32>} : memref<1024xf32, #tpu.memory_space<vmem>>, vector<16xf32>,
      %get3A_603 = arith.index_cast %mul3A_601 : i32 to index
      %get3A_604 = tpu.vector_load %arg11[%get3A_603] {strides = array<i32>} : memref<1024xf32, #tpu.memory_space<vmem>>, vector<16xf32>,
      %mul3A_605 = arith.mulf %get3A_602, %get3A_604 : vector<16xf32>
      %get3A_606 = arith.index_cast %mul3A_601 : i32 to index
      %get3A_607 = tpu.vector_load %arg12[%get3A_606] {strides = array<i32>} : memref<1024xf32, #tpu.memory_space<vmem>>, vector<16xf32>,
      %add3A_608 = arith.addf %get3A_607, %mul3A_605 : vector<16xf32>
      %swap3A = arith.index_cast %mul3A_601 : i32 to index
      %swap3A_609 = tpu.vector_load %arg12[%swap3A] {strides = array<i32>} : memref<1024xf32, #tpu.memory_space<vmem>>, vector<16xf32>,
      tpu.vector_store %arg12[%swap3A], %add3A_608 {strides = array<i32>} : memref<1024xf32, #tpu.memory_space<vmem>>, vector<16xf32>,
      %scan3A_610 = arith.constant 0 : i32
      scf.yield %scan3A_610 : i32
    }
    %scan3A_350 = arith.constant 32 : i32
    %dma_wait3A_351 = arith.constant 512 : i32
    %dma_wait3A_352 = tpu.memref_slice %arg10[%dma_wait3A_351] : memref<1024xf32, #tpu.memory_space<vmem>> -> memref<512xf32, #tpu.memory_space<vmem>>
    %dma_wait3A_353 = arith.constant 512 : i32
    %dma_wait3A_354 = tpu.memref_slice %arg8[%dma_wait3A_353] : memref<1024xi32, #tpu.memory_space<vmem>> -> memref<512xi32, #tpu.memory_space<vmem>>
    %dma_wait3A_355 = arith.constant 0 : i32
    %dma_wait3A_356 = tpu.memref_slice %arg14[%dma_wait3A_355] : memref<1000000xf32, #tpu.memory_space<vmem_shared>> -> memref<1000000xf32, #tpu.memory_space<vmem_shared>>
    tpu.wait_indirect_dma semaphore(%arg17 : memref<!tpu.dma_semaphore, #tpu.memory_space<semaphore_mem>>) src(%dma_wait3A_356 : memref<1000000xf32, #tpu.memory_space<vmem_shared>>) dst(%dma_wait3A_352 : memref<512xf32, #tpu.memory_space<vmem>>)
    %dma_wait3A_357 = arith.constant 512 : i32
    %dma_wait3A_358 = tpu.memref_slice %arg11[%dma_wait3A_357] : memref<1024xf32, #tpu.memory_space<vmem>> -> memref<512xf32, #tpu.memory_space<vmem>>
    %dma_wait3A_359 = arith.constant 512 : i32
    %dma_wait3A_360 = tpu.memref_slice %arg9[%dma_wait3A_359] : memref<1024xi32, #tpu.memory_space<vmem>> -> memref<512xi32, #tpu.memory_space<vmem>>
    %dma_wait3A_361 = arith.constant 0 : i32
    %dma_wait3A_362 = tpu.memref_slice %arg14[%dma_wait3A_361] : memref<1000000xf32, #tpu.memory_space<vmem_shared>> -> memref<1000000xf32, #tpu.memory_space<vmem_shared>>
    tpu.wait_indirect_dma semaphore(%arg17 : memref<!tpu.dma_semaphore, #tpu.memory_space<semaphore_mem>>) src(%dma_wait3A_362 : memref<1000000xf32, #tpu.memory_space<vmem_shared>>) dst(%dma_wait3A_358 : memref<512xf32, #tpu.memory_space<vmem>>)
    %barrier3A_363 = arith.constant 0 : index
    tpu.barrier barrier_id(%barrier3A_363)
    %eq3A_364 = arith.constant 0 : i32
    %eq3A_365 = arith.cmpi eq, %arg1, %eq3A_364 : i32
    %convert_element_type3A_366 = arith.extui %eq3A_365 : i1 to i32
    %cond3A_367 = arith.constant 0 : i32
    %cond3A_368 = arith.cmpi ne, %convert_element_type3A_366, %cond3A_367 : i32
    scf.if %cond3A_368 {
      %add3A_598 = arith.constant 4 : i32
      %add3A_599 = arith.addi %mul3A_2, %add3A_598 : i32
      %add3A_600 = arith.constant 2 : i32
      %add3A_601 = arith.addi %add3A_599, %add3A_600 : i32
      %dma_start3A_602 = arith.constant 0 : i32
      %dma_start3A_603 = tpu.memref_slice %arg4[%add3A_601, %dma_start3A_602] : memref<16x1000000xf32, #tpu.memory_space<hbm>> -> memref<1x1000000xf32, #tpu.memory_space<hbm>>
      %dma_start3A_604 = tpu.memref_squeeze %dma_start3A_603 : memref<1x1000000xf32, #tpu.memory_space<hbm>> -> memref<1000000xf32, #tpu.memory_space<hbm>>
      tpu.enqueue_dma source(%dma_start3A_604 : memref<1000000xf32, #tpu.memory_space<hbm>>) target(%arg14 : memref<1000000xf32, #tpu.memory_space<vmem_shared>>) target_semaphore(%arg16 : memref<!tpu.dma_semaphore, #tpu.memory_space<semaphore_mem>>)
    } else {
    }
    %scan3A_369 = arith.constant 0 : i32
    %scan3A_370 = arith.constant 32 : i32
    %scan3A_371 = arith.constant 32 : i32
    %scan3A_372 = arith.addi %scan3A_370, %scan3A_371 : i32
    %scan3A_373 = arith.constant 1 : i32
    %scan3A_374 = scf.for %scan3A_598 = %scan3A_370 to %scan3A_372 step %scan3A_373 iter_args(%scan3A_599 = %scan3A_369) -> (i32)  : i32 {
      %mul3A_600 = arith.constant 16 : i32
      %mul3A_601 = arith.muli %scan3A_598, %mul3A_600 : i32
      %get3A = arith.index_cast %mul3A_601 : i32 to index
      %get3A_602 = tpu.vector_load %arg10[%get3A] {strides = array<i32>} : memref<1024xf32, #tpu.memory_space<vmem>>, vector<16xf32>,
      %get3A_603 = arith.index_cast %mul3A_601 : i32 to index
      %get3A_604 = tpu.vector_load %arg11[%get3A_603] {strides = array<i32>} : memref<1024xf32, #tpu.memory_space<vmem>>, vector<16xf32>,
      %mul3A_605 = arith.mulf %get3A_602, %get3A_604 : vector<16xf32>
      %get3A_606 = arith.index_cast %mul3A_601 : i32 to index
      %get3A_607 = tpu.vector_load %arg12[%get3A_606] {strides = array<i32>} : memref<1024xf32, #tpu.memory_space<vmem>>, vector<16xf32>,
      %add3A_608 = arith.addf %get3A_607, %mul3A_605 : vector<16xf32>
      %swap3A = arith.index_cast %mul3A_601 : i32 to index
      %swap3A_609 = tpu.vector_load %arg12[%swap3A] {strides = array<i32>} : memref<1024xf32, #tpu.memory_space<vmem>>, vector<16xf32>,
      tpu.vector_store %arg12[%swap3A], %add3A_608 {strides = array<i32>} : memref<1024xf32, #tpu.memory_space<vmem>>, vector<16xf32>,
      %scan3A_610 = arith.constant 0 : i32
      scf.yield %scan3A_610 : i32
    }
    %scan3A_375 = arith.constant 32 : i32
    %eq3A_376 = arith.constant 0 : i32
    %eq3A_377 = arith.cmpi eq, %arg1, %eq3A_376 : i32
    %convert_element_type3A_378 = arith.extui %eq3A_377 : i1 to i32
    %cond3A_379 = arith.constant 0 : i32
    %cond3A_380 = arith.cmpi ne, %convert_element_type3A_378, %cond3A_379 : i32
    scf.if %cond3A_380 {
      %add3A_598 = arith.constant 5 : i32
      %add3A_599 = arith.addi %mul3A_2, %add3A_598 : i32
      %dma_wait3A_600 = arith.constant 0 : i32
      %dma_wait3A_601 = tpu.memref_slice %arg4[%add3A_599, %dma_wait3A_600] : memref<16x1000000xf32, #tpu.memory_space<hbm>> -> memref<1x1000000xf32, #tpu.memory_space<hbm>>
      %dma_wait3A_602 = tpu.memref_squeeze %dma_wait3A_601 : memref<1x1000000xf32, #tpu.memory_space<hbm>> -> memref<1000000xf32, #tpu.memory_space<hbm>>
      tpu.wait_dma2 semaphore(%arg16 : memref<!tpu.dma_semaphore, #tpu.memory_space<semaphore_mem>>) src(%dma_wait3A_602 : memref<1000000xf32, #tpu.memory_space<hbm>>) dst(%arg15 : memref<1000000xf32, #tpu.memory_space<vmem_shared>>)
    } else {
    }
    %barrier3A_381 = arith.constant 0 : index
    tpu.barrier barrier_id(%barrier3A_381)
    %dma_start3A_382 = arith.constant 0 : i32
    %dma_start3A_383 = tpu.memref_slice %arg10[%dma_start3A_382] : memref<1024xf32, #tpu.memory_space<vmem>> -> memref<512xf32, #tpu.memory_space<vmem>>
    %dma_start3A_384 = arith.constant 0 : i32
    %dma_start3A_385 = tpu.memref_slice %arg8[%dma_start3A_384] : memref<1024xi32, #tpu.memory_space<vmem>> -> memref<512xi32, #tpu.memory_space<vmem>>
    %dma_start3A_386 = arith.constant 0 : i32
    %dma_start3A_387 = tpu.memref_slice %arg15[%dma_start3A_386] : memref<1000000xf32, #tpu.memory_space<vmem_shared>> -> memref<1000000xf32, #tpu.memory_space<vmem_shared>>
    tpu.enqueue_indirect_dma source(%dma_start3A_387 : memref<1000000xf32, #tpu.memory_space<vmem_shared>>) target(%dma_start3A_383 : memref<512xf32, #tpu.memory_space<vmem>>) offsets(%dma_start3A_385 : memref<512xi32, #tpu.memory_space<vmem>>) semaphore(%arg17 : memref<!tpu.dma_semaphore, #tpu.memory_space<semaphore_mem>>)
    %dma_start3A_388 = arith.constant 0 : i32
    %dma_start3A_389 = tpu.memref_slice %arg11[%dma_start3A_388] : memref<1024xf32, #tpu.memory_space<vmem>> -> memref<512xf32, #tpu.memory_space<vmem>>
    %dma_start3A_390 = arith.constant 0 : i32
    %dma_start3A_391 = tpu.memref_slice %arg9[%dma_start3A_390] : memref<1024xi32, #tpu.memory_space<vmem>> -> memref<512xi32, #tpu.memory_space<vmem>>
    %dma_start3A_392 = arith.constant 0 : i32
    %dma_start3A_393 = tpu.memref_slice %arg15[%dma_start3A_392] : memref<1000000xf32, #tpu.memory_space<vmem_shared>> -> memref<1000000xf32, #tpu.memory_space<vmem_shared>>
    tpu.enqueue_indirect_dma source(%dma_start3A_393 : memref<1000000xf32, #tpu.memory_space<vmem_shared>>) target(%dma_start3A_389 : memref<512xf32, #tpu.memory_space<vmem>>) offsets(%dma_start3A_391 : memref<512xi32, #tpu.memory_space<vmem>>) semaphore(%arg17 : memref<!tpu.dma_semaphore, #tpu.memory_space<semaphore_mem>>)
    %dma_start3A_394 = arith.constant 512 : i32
    %dma_start3A_395 = tpu.memref_slice %arg10[%dma_start3A_394] : memref<1024xf32, #tpu.memory_space<vmem>> -> memref<512xf32, #tpu.memory_space<vmem>>
    %dma_start3A_396 = arith.constant 512 : i32
    %dma_start3A_397 = tpu.memref_slice %arg8[%dma_start3A_396] : memref<1024xi32, #tpu.memory_space<vmem>> -> memref<512xi32, #tpu.memory_space<vmem>>
    %dma_start3A_398 = arith.constant 0 : i32
    %dma_start3A_399 = tpu.memref_slice %arg15[%dma_start3A_398] : memref<1000000xf32, #tpu.memory_space<vmem_shared>> -> memref<1000000xf32, #tpu.memory_space<vmem_shared>>
    tpu.enqueue_indirect_dma source(%dma_start3A_399 : memref<1000000xf32, #tpu.memory_space<vmem_shared>>) target(%dma_start3A_395 : memref<512xf32, #tpu.memory_space<vmem>>) offsets(%dma_start3A_397 : memref<512xi32, #tpu.memory_space<vmem>>) semaphore(%arg17 : memref<!tpu.dma_semaphore, #tpu.memory_space<semaphore_mem>>)
    %dma_start3A_400 = arith.constant 512 : i32
    %dma_start3A_401 = tpu.memref_slice %arg11[%dma_start3A_400] : memref<1024xf32, #tpu.memory_space<vmem>> -> memref<512xf32, #tpu.memory_space<vmem>>
    %dma_start3A_402 = arith.constant 512 : i32
    %dma_start3A_403 = tpu.memref_slice %arg9[%dma_start3A_402] : memref<1024xi32, #tpu.memory_space<vmem>> -> memref<512xi32, #tpu.memory_space<vmem>>
    %dma_start3A_404 = arith.constant 0 : i32
    %dma_start3A_405 = tpu.memref_slice %arg15[%dma_start3A_404] : memref<1000000xf32, #tpu.memory_space<vmem_shared>> -> memref<1000000xf32, #tpu.memory_space<vmem_shared>>
    tpu.enqueue_indirect_dma source(%dma_start3A_405 : memref<1000000xf32, #tpu.memory_space<vmem_shared>>) target(%dma_start3A_401 : memref<512xf32, #tpu.memory_space<vmem>>) offsets(%dma_start3A_403 : memref<512xi32, #tpu.memory_space<vmem>>) semaphore(%arg17 : memref<!tpu.dma_semaphore, #tpu.memory_space<semaphore_mem>>)
    %dma_wait3A_406 = arith.constant 0 : i32
    %dma_wait3A_407 = tpu.memref_slice %arg10[%dma_wait3A_406] : memref<1024xf32, #tpu.memory_space<vmem>> -> memref<512xf32, #tpu.memory_space<vmem>>
    %dma_wait3A_408 = arith.constant 0 : i32
    %dma_wait3A_409 = tpu.memref_slice %arg8[%dma_wait3A_408] : memref<1024xi32, #tpu.memory_space<vmem>> -> memref<512xi32, #tpu.memory_space<vmem>>
    %dma_wait3A_410 = arith.constant 0 : i32
    %dma_wait3A_411 = tpu.memref_slice %arg15[%dma_wait3A_410] : memref<1000000xf32, #tpu.memory_space<vmem_shared>> -> memref<1000000xf32, #tpu.memory_space<vmem_shared>>
    tpu.wait_indirect_dma semaphore(%arg17 : memref<!tpu.dma_semaphore, #tpu.memory_space<semaphore_mem>>) src(%dma_wait3A_411 : memref<1000000xf32, #tpu.memory_space<vmem_shared>>) dst(%dma_wait3A_407 : memref<512xf32, #tpu.memory_space<vmem>>)
    %dma_wait3A_412 = arith.constant 0 : i32
    %dma_wait3A_413 = tpu.memref_slice %arg11[%dma_wait3A_412] : memref<1024xf32, #tpu.memory_space<vmem>> -> memref<512xf32, #tpu.memory_space<vmem>>
    %dma_wait3A_414 = arith.constant 0 : i32
    %dma_wait3A_415 = tpu.memref_slice %arg9[%dma_wait3A_414] : memref<1024xi32, #tpu.memory_space<vmem>> -> memref<512xi32, #tpu.memory_space<vmem>>
    %dma_wait3A_416 = arith.constant 0 : i32
    %dma_wait3A_417 = tpu.memref_slice %arg15[%dma_wait3A_416] : memref<1000000xf32, #tpu.memory_space<vmem_shared>> -> memref<1000000xf32, #tpu.memory_space<vmem_shared>>
    tpu.wait_indirect_dma semaphore(%arg17 : memref<!tpu.dma_semaphore, #tpu.memory_space<semaphore_mem>>) src(%dma_wait3A_417 : memref<1000000xf32, #tpu.memory_space<vmem_shared>>) dst(%dma_wait3A_413 : memref<512xf32, #tpu.memory_space<vmem>>)
    %scan3A_418 = arith.constant 0 : i32
    %scan3A_419 = arith.constant 0 : i32
    %scan3A_420 = arith.constant 32 : i32
    %scan3A_421 = arith.addi %scan3A_419, %scan3A_420 : i32
    %scan3A_422 = arith.constant 1 : i32
    %scan3A_423 = scf.for %scan3A_598 = %scan3A_419 to %scan3A_421 step %scan3A_422 iter_args(%scan3A_599 = %scan3A_418) -> (i32)  : i32 {
      %mul3A_600 = arith.constant 16 : i32
      %mul3A_601 = arith.muli %scan3A_598, %mul3A_600 : i32
      %get3A = arith.index_cast %mul3A_601 : i32 to index
      %get3A_602 = tpu.vector_load %arg10[%get3A] {strides = array<i32>} : memref<1024xf32, #tpu.memory_space<vmem>>, vector<16xf32>,
      %get3A_603 = arith.index_cast %mul3A_601 : i32 to index
      %get3A_604 = tpu.vector_load %arg11[%get3A_603] {strides = array<i32>} : memref<1024xf32, #tpu.memory_space<vmem>>, vector<16xf32>,
      %mul3A_605 = arith.mulf %get3A_602, %get3A_604 : vector<16xf32>
      %get3A_606 = arith.index_cast %mul3A_601 : i32 to index
      %get3A_607 = tpu.vector_load %arg12[%get3A_606] {strides = array<i32>} : memref<1024xf32, #tpu.memory_space<vmem>>, vector<16xf32>,
      %add3A_608 = arith.addf %get3A_607, %mul3A_605 : vector<16xf32>
      %swap3A = arith.index_cast %mul3A_601 : i32 to index
      %swap3A_609 = tpu.vector_load %arg12[%swap3A] {strides = array<i32>} : memref<1024xf32, #tpu.memory_space<vmem>>, vector<16xf32>,
      tpu.vector_store %arg12[%swap3A], %add3A_608 {strides = array<i32>} : memref<1024xf32, #tpu.memory_space<vmem>>, vector<16xf32>,
      %scan3A_610 = arith.constant 0 : i32
      scf.yield %scan3A_610 : i32
    }
    %scan3A_424 = arith.constant 32 : i32
    %dma_wait3A_425 = arith.constant 512 : i32
    %dma_wait3A_426 = tpu.memref_slice %arg10[%dma_wait3A_425] : memref<1024xf32, #tpu.memory_space<vmem>> -> memref<512xf32, #tpu.memory_space<vmem>>
    %dma_wait3A_427 = arith.constant 512 : i32
    %dma_wait3A_428 = tpu.memref_slice %arg8[%dma_wait3A_427] : memref<1024xi32, #tpu.memory_space<vmem>> -> memref<512xi32, #tpu.memory_space<vmem>>
    %dma_wait3A_429 = arith.constant 0 : i32
    %dma_wait3A_430 = tpu.memref_slice %arg15[%dma_wait3A_429] : memref<1000000xf32, #tpu.memory_space<vmem_shared>> -> memref<1000000xf32, #tpu.memory_space<vmem_shared>>
    tpu.wait_indirect_dma semaphore(%arg17 : memref<!tpu.dma_semaphore, #tpu.memory_space<semaphore_mem>>) src(%dma_wait3A_430 : memref<1000000xf32, #tpu.memory_space<vmem_shared>>) dst(%dma_wait3A_426 : memref<512xf32, #tpu.memory_space<vmem>>)
    %dma_wait3A_431 = arith.constant 512 : i32
    %dma_wait3A_432 = tpu.memref_slice %arg11[%dma_wait3A_431] : memref<1024xf32, #tpu.memory_space<vmem>> -> memref<512xf32, #tpu.memory_space<vmem>>
    %dma_wait3A_433 = arith.constant 512 : i32
    %dma_wait3A_434 = tpu.memref_slice %arg9[%dma_wait3A_433] : memref<1024xi32, #tpu.memory_space<vmem>> -> memref<512xi32, #tpu.memory_space<vmem>>
    %dma_wait3A_435 = arith.constant 0 : i32
    %dma_wait3A_436 = tpu.memref_slice %arg15[%dma_wait3A_435] : memref<1000000xf32, #tpu.memory_space<vmem_shared>> -> memref<1000000xf32, #tpu.memory_space<vmem_shared>>
    tpu.wait_indirect_dma semaphore(%arg17 : memref<!tpu.dma_semaphore, #tpu.memory_space<semaphore_mem>>) src(%dma_wait3A_436 : memref<1000000xf32, #tpu.memory_space<vmem_shared>>) dst(%dma_wait3A_432 : memref<512xf32, #tpu.memory_space<vmem>>)
    %barrier3A_437 = arith.constant 0 : index
    tpu.barrier barrier_id(%barrier3A_437)
    %eq3A_438 = arith.constant 0 : i32
    %eq3A_439 = arith.cmpi eq, %arg1, %eq3A_438 : i32
    %convert_element_type3A_440 = arith.extui %eq3A_439 : i1 to i32
    %cond3A_441 = arith.constant 0 : i32
    %cond3A_442 = arith.cmpi ne, %convert_element_type3A_440, %cond3A_441 : i32
    scf.if %cond3A_442 {
      %add3A_598 = arith.constant 5 : i32
      %add3A_599 = arith.addi %mul3A_2, %add3A_598 : i32
      %add3A_600 = arith.constant 2 : i32
      %add3A_601 = arith.addi %add3A_599, %add3A_600 : i32
      %dma_start3A_602 = arith.constant 0 : i32
      %dma_start3A_603 = tpu.memref_slice %arg4[%add3A_601, %dma_start3A_602] : memref<16x1000000xf32, #tpu.memory_space<hbm>> -> memref<1x1000000xf32, #tpu.memory_space<hbm>>
      %dma_start3A_604 = tpu.memref_squeeze %dma_start3A_603 : memref<1x1000000xf32, #tpu.memory_space<hbm>> -> memref<1000000xf32, #tpu.memory_space<hbm>>
      tpu.enqueue_dma source(%dma_start3A_604 : memref<1000000xf32, #tpu.memory_space<hbm>>) target(%arg15 : memref<1000000xf32, #tpu.memory_space<vmem_shared>>) target_semaphore(%arg16 : memref<!tpu.dma_semaphore, #tpu.memory_space<semaphore_mem>>)
    } else {
    }
    %scan3A_443 = arith.constant 0 : i32
    %scan3A_444 = arith.constant 32 : i32
    %scan3A_445 = arith.constant 32 : i32
    %scan3A_446 = arith.addi %scan3A_444, %scan3A_445 : i32
    %scan3A_447 = arith.constant 1 : i32
    %scan3A_448 = scf.for %scan3A_598 = %scan3A_444 to %scan3A_446 step %scan3A_447 iter_args(%scan3A_599 = %scan3A_443) -> (i32)  : i32 {
      %mul3A_600 = arith.constant 16 : i32
      %mul3A_601 = arith.muli %scan3A_598, %mul3A_600 : i32
      %get3A = arith.index_cast %mul3A_601 : i32 to index
      %get3A_602 = tpu.vector_load %arg10[%get3A] {strides = array<i32>} : memref<1024xf32, #tpu.memory_space<vmem>>, vector<16xf32>,
      %get3A_603 = arith.index_cast %mul3A_601 : i32 to index
      %get3A_604 = tpu.vector_load %arg11[%get3A_603] {strides = array<i32>} : memref<1024xf32, #tpu.memory_space<vmem>>, vector<16xf32>,
      %mul3A_605 = arith.mulf %get3A_602, %get3A_604 : vector<16xf32>
      %get3A_606 = arith.index_cast %mul3A_601 : i32 to index
      %get3A_607 = tpu.vector_load %arg12[%get3A_606] {strides = array<i32>} : memref<1024xf32, #tpu.memory_space<vmem>>, vector<16xf32>,
      %add3A_608 = arith.addf %get3A_607, %mul3A_605 : vector<16xf32>
      %swap3A = arith.index_cast %mul3A_601 : i32 to index
      %swap3A_609 = tpu.vector_load %arg12[%swap3A] {strides = array<i32>} : memref<1024xf32, #tpu.memory_space<vmem>>, vector<16xf32>,
      tpu.vector_store %arg12[%swap3A], %add3A_608 {strides = array<i32>} : memref<1024xf32, #tpu.memory_space<vmem>>, vector<16xf32>,
      %scan3A_610 = arith.constant 0 : i32
      scf.yield %scan3A_610 : i32
    }
    %scan3A_449 = arith.constant 32 : i32
    %eq3A_450 = arith.constant 0 : i32
    %eq3A_451 = arith.cmpi eq, %arg1, %eq3A_450 : i32
    %convert_element_type3A_452 = arith.extui %eq3A_451 : i1 to i32
    %cond3A_453 = arith.constant 0 : i32
    %cond3A_454 = arith.cmpi ne, %convert_element_type3A_452, %cond3A_453 : i32
    scf.if %cond3A_454 {
      %add3A_598 = arith.constant 6 : i32
      %add3A_599 = arith.addi %mul3A_2, %add3A_598 : i32
      %dma_wait3A_600 = arith.constant 0 : i32
      %dma_wait3A_601 = tpu.memref_slice %arg4[%add3A_599, %dma_wait3A_600] : memref<16x1000000xf32, #tpu.memory_space<hbm>> -> memref<1x1000000xf32, #tpu.memory_space<hbm>>
      %dma_wait3A_602 = tpu.memref_squeeze %dma_wait3A_601 : memref<1x1000000xf32, #tpu.memory_space<hbm>> -> memref<1000000xf32, #tpu.memory_space<hbm>>
      tpu.wait_dma2 semaphore(%arg16 : memref<!tpu.dma_semaphore, #tpu.memory_space<semaphore_mem>>) src(%dma_wait3A_602 : memref<1000000xf32, #tpu.memory_space<hbm>>) dst(%arg14 : memref<1000000xf32, #tpu.memory_space<vmem_shared>>)
    } else {
    }
    %barrier3A_455 = arith.constant 0 : index
    tpu.barrier barrier_id(%barrier3A_455)
    %dma_start3A_456 = arith.constant 0 : i32
    %dma_start3A_457 = tpu.memref_slice %arg10[%dma_start3A_456] : memref<1024xf32, #tpu.memory_space<vmem>> -> memref<512xf32, #tpu.memory_space<vmem>>
    %dma_start3A_458 = arith.constant 0 : i32
    %dma_start3A_459 = tpu.memref_slice %arg8[%dma_start3A_458] : memref<1024xi32, #tpu.memory_space<vmem>> -> memref<512xi32, #tpu.memory_space<vmem>>
    %dma_start3A_460 = arith.constant 0 : i32
    %dma_start3A_461 = tpu.memref_slice %arg14[%dma_start3A_460] : memref<1000000xf32, #tpu.memory_space<vmem_shared>> -> memref<1000000xf32, #tpu.memory_space<vmem_shared>>
    tpu.enqueue_indirect_dma source(%dma_start3A_461 : memref<1000000xf32, #tpu.memory_space<vmem_shared>>) target(%dma_start3A_457 : memref<512xf32, #tpu.memory_space<vmem>>) offsets(%dma_start3A_459 : memref<512xi32, #tpu.memory_space<vmem>>) semaphore(%arg17 : memref<!tpu.dma_semaphore, #tpu.memory_space<semaphore_mem>>)
    %dma_start3A_462 = arith.constant 0 : i32
    %dma_start3A_463 = tpu.memref_slice %arg11[%dma_start3A_462] : memref<1024xf32, #tpu.memory_space<vmem>> -> memref<512xf32, #tpu.memory_space<vmem>>
    %dma_start3A_464 = arith.constant 0 : i32
    %dma_start3A_465 = tpu.memref_slice %arg9[%dma_start3A_464] : memref<1024xi32, #tpu.memory_space<vmem>> -> memref<512xi32, #tpu.memory_space<vmem>>
    %dma_start3A_466 = arith.constant 0 : i32
    %dma_start3A_467 = tpu.memref_slice %arg14[%dma_start3A_466] : memref<1000000xf32, #tpu.memory_space<vmem_shared>> -> memref<1000000xf32, #tpu.memory_space<vmem_shared>>
    tpu.enqueue_indirect_dma source(%dma_start3A_467 : memref<1000000xf32, #tpu.memory_space<vmem_shared>>) target(%dma_start3A_463 : memref<512xf32, #tpu.memory_space<vmem>>) offsets(%dma_start3A_465 : memref<512xi32, #tpu.memory_space<vmem>>) semaphore(%arg17 : memref<!tpu.dma_semaphore, #tpu.memory_space<semaphore_mem>>)
    %dma_start3A_468 = arith.constant 512 : i32
    %dma_start3A_469 = tpu.memref_slice %arg10[%dma_start3A_468] : memref<1024xf32, #tpu.memory_space<vmem>> -> memref<512xf32, #tpu.memory_space<vmem>>
    %dma_start3A_470 = arith.constant 512 : i32
    %dma_start3A_471 = tpu.memref_slice %arg8[%dma_start3A_470] : memref<1024xi32, #tpu.memory_space<vmem>> -> memref<512xi32, #tpu.memory_space<vmem>>
    %dma_start3A_472 = arith.constant 0 : i32
    %dma_start3A_473 = tpu.memref_slice %arg14[%dma_start3A_472] : memref<1000000xf32, #tpu.memory_space<vmem_shared>> -> memref<1000000xf32, #tpu.memory_space<vmem_shared>>
    tpu.enqueue_indirect_dma source(%dma_start3A_473 : memref<1000000xf32, #tpu.memory_space<vmem_shared>>) target(%dma_start3A_469 : memref<512xf32, #tpu.memory_space<vmem>>) offsets(%dma_start3A_471 : memref<512xi32, #tpu.memory_space<vmem>>) semaphore(%arg17 : memref<!tpu.dma_semaphore, #tpu.memory_space<semaphore_mem>>)
    %dma_start3A_474 = arith.constant 512 : i32
    %dma_start3A_475 = tpu.memref_slice %arg11[%dma_start3A_474] : memref<1024xf32, #tpu.memory_space<vmem>> -> memref<512xf32, #tpu.memory_space<vmem>>
    %dma_start3A_476 = arith.constant 512 : i32
    %dma_start3A_477 = tpu.memref_slice %arg9[%dma_start3A_476] : memref<1024xi32, #tpu.memory_space<vmem>> -> memref<512xi32, #tpu.memory_space<vmem>>
    %dma_start3A_478 = arith.constant 0 : i32
    %dma_start3A_479 = tpu.memref_slice %arg14[%dma_start3A_478] : memref<1000000xf32, #tpu.memory_space<vmem_shared>> -> memref<1000000xf32, #tpu.memory_space<vmem_shared>>
    tpu.enqueue_indirect_dma source(%dma_start3A_479 : memref<1000000xf32, #tpu.memory_space<vmem_shared>>) target(%dma_start3A_475 : memref<512xf32, #tpu.memory_space<vmem>>) offsets(%dma_start3A_477 : memref<512xi32, #tpu.memory_space<vmem>>) semaphore(%arg17 : memref<!tpu.dma_semaphore, #tpu.memory_space<semaphore_mem>>)
    %dma_wait3A_480 = arith.constant 0 : i32
    %dma_wait3A_481 = tpu.memref_slice %arg10[%dma_wait3A_480] : memref<1024xf32, #tpu.memory_space<vmem>> -> memref<512xf32, #tpu.memory_space<vmem>>
    %dma_wait3A_482 = arith.constant 0 : i32
    %dma_wait3A_483 = tpu.memref_slice %arg8[%dma_wait3A_482] : memref<1024xi32, #tpu.memory_space<vmem>> -> memref<512xi32, #tpu.memory_space<vmem>>
    %dma_wait3A_484 = arith.constant 0 : i32
    %dma_wait3A_485 = tpu.memref_slice %arg14[%dma_wait3A_484] : memref<1000000xf32, #tpu.memory_space<vmem_shared>> -> memref<1000000xf32, #tpu.memory_space<vmem_shared>>
    tpu.wait_indirect_dma semaphore(%arg17 : memref<!tpu.dma_semaphore, #tpu.memory_space<semaphore_mem>>) src(%dma_wait3A_485 : memref<1000000xf32, #tpu.memory_space<vmem_shared>>) dst(%dma_wait3A_481 : memref<512xf32, #tpu.memory_space<vmem>>)
    %dma_wait3A_486 = arith.constant 0 : i32
    %dma_wait3A_487 = tpu.memref_slice %arg11[%dma_wait3A_486] : memref<1024xf32, #tpu.memory_space<vmem>> -> memref<512xf32, #tpu.memory_space<vmem>>
    %dma_wait3A_488 = arith.constant 0 : i32
    %dma_wait3A_489 = tpu.memref_slice %arg9[%dma_wait3A_488] : memref<1024xi32, #tpu.memory_space<vmem>> -> memref<512xi32, #tpu.memory_space<vmem>>
    %dma_wait3A_490 = arith.constant 0 : i32
    %dma_wait3A_491 = tpu.memref_slice %arg14[%dma_wait3A_490] : memref<1000000xf32, #tpu.memory_space<vmem_shared>> -> memref<1000000xf32, #tpu.memory_space<vmem_shared>>
    tpu.wait_indirect_dma semaphore(%arg17 : memref<!tpu.dma_semaphore, #tpu.memory_space<semaphore_mem>>) src(%dma_wait3A_491 : memref<1000000xf32, #tpu.memory_space<vmem_shared>>) dst(%dma_wait3A_487 : memref<512xf32, #tpu.memory_space<vmem>>)
    %scan3A_492 = arith.constant 0 : i32
    %scan3A_493 = arith.constant 0 : i32
    %scan3A_494 = arith.constant 32 : i32
    %scan3A_495 = arith.addi %scan3A_493, %scan3A_494 : i32
    %scan3A_496 = arith.constant 1 : i32
    %scan3A_497 = scf.for %scan3A_598 = %scan3A_493 to %scan3A_495 step %scan3A_496 iter_args(%scan3A_599 = %scan3A_492) -> (i32)  : i32 {
      %mul3A_600 = arith.constant 16 : i32
      %mul3A_601 = arith.muli %scan3A_598, %mul3A_600 : i32
      %get3A = arith.index_cast %mul3A_601 : i32 to index
      %get3A_602 = tpu.vector_load %arg10[%get3A] {strides = array<i32>} : memref<1024xf32, #tpu.memory_space<vmem>>, vector<16xf32>,
      %get3A_603 = arith.index_cast %mul3A_601 : i32 to index
      %get3A_604 = tpu.vector_load %arg11[%get3A_603] {strides = array<i32>} : memref<1024xf32, #tpu.memory_space<vmem>>, vector<16xf32>,
      %mul3A_605 = arith.mulf %get3A_602, %get3A_604 : vector<16xf32>
      %get3A_606 = arith.index_cast %mul3A_601 : i32 to index
      %get3A_607 = tpu.vector_load %arg12[%get3A_606] {strides = array<i32>} : memref<1024xf32, #tpu.memory_space<vmem>>, vector<16xf32>,
      %add3A_608 = arith.addf %get3A_607, %mul3A_605 : vector<16xf32>
      %swap3A = arith.index_cast %mul3A_601 : i32 to index
      %swap3A_609 = tpu.vector_load %arg12[%swap3A] {strides = array<i32>} : memref<1024xf32, #tpu.memory_space<vmem>>, vector<16xf32>,
      tpu.vector_store %arg12[%swap3A], %add3A_608 {strides = array<i32>} : memref<1024xf32, #tpu.memory_space<vmem>>, vector<16xf32>,
      %scan3A_610 = arith.constant 0 : i32
      scf.yield %scan3A_610 : i32
    }
    %scan3A_498 = arith.constant 32 : i32
    %dma_wait3A_499 = arith.constant 512 : i32
    %dma_wait3A_500 = tpu.memref_slice %arg10[%dma_wait3A_499] : memref<1024xf32, #tpu.memory_space<vmem>> -> memref<512xf32, #tpu.memory_space<vmem>>
    %dma_wait3A_501 = arith.constant 512 : i32
    %dma_wait3A_502 = tpu.memref_slice %arg8[%dma_wait3A_501] : memref<1024xi32, #tpu.memory_space<vmem>> -> memref<512xi32, #tpu.memory_space<vmem>>
    %dma_wait3A_503 = arith.constant 0 : i32
    %dma_wait3A_504 = tpu.memref_slice %arg14[%dma_wait3A_503] : memref<1000000xf32, #tpu.memory_space<vmem_shared>> -> memref<1000000xf32, #tpu.memory_space<vmem_shared>>
    tpu.wait_indirect_dma semaphore(%arg17 : memref<!tpu.dma_semaphore, #tpu.memory_space<semaphore_mem>>) src(%dma_wait3A_504 : memref<1000000xf32, #tpu.memory_space<vmem_shared>>) dst(%dma_wait3A_500 : memref<512xf32, #tpu.memory_space<vmem>>)
    %dma_wait3A_505 = arith.constant 512 : i32
    %dma_wait3A_506 = tpu.memref_slice %arg11[%dma_wait3A_505] : memref<1024xf32, #tpu.memory_space<vmem>> -> memref<512xf32, #tpu.memory_space<vmem>>
    %dma_wait3A_507 = arith.constant 512 : i32
    %dma_wait3A_508 = tpu.memref_slice %arg9[%dma_wait3A_507] : memref<1024xi32, #tpu.memory_space<vmem>> -> memref<512xi32, #tpu.memory_space<vmem>>
    %dma_wait3A_509 = arith.constant 0 : i32
    %dma_wait3A_510 = tpu.memref_slice %arg14[%dma_wait3A_509] : memref<1000000xf32, #tpu.memory_space<vmem_shared>> -> memref<1000000xf32, #tpu.memory_space<vmem_shared>>
    tpu.wait_indirect_dma semaphore(%arg17 : memref<!tpu.dma_semaphore, #tpu.memory_space<semaphore_mem>>) src(%dma_wait3A_510 : memref<1000000xf32, #tpu.memory_space<vmem_shared>>) dst(%dma_wait3A_506 : memref<512xf32, #tpu.memory_space<vmem>>)
    %scan3A_511 = arith.constant 0 : i32
    %scan3A_512 = arith.constant 32 : i32
    %scan3A_513 = arith.constant 32 : i32
    %scan3A_514 = arith.addi %scan3A_512, %scan3A_513 : i32
    %scan3A_515 = arith.constant 1 : i32
    %scan3A_516 = scf.for %scan3A_598 = %scan3A_512 to %scan3A_514 step %scan3A_515 iter_args(%scan3A_599 = %scan3A_511) -> (i32)  : i32 {
      %mul3A_600 = arith.constant 16 : i32
      %mul3A_601 = arith.muli %scan3A_598, %mul3A_600 : i32
      %get3A = arith.index_cast %mul3A_601 : i32 to index
      %get3A_602 = tpu.vector_load %arg10[%get3A] {strides = array<i32>} : memref<1024xf32, #tpu.memory_space<vmem>>, vector<16xf32>,
      %get3A_603 = arith.index_cast %mul3A_601 : i32 to index
      %get3A_604 = tpu.vector_load %arg11[%get3A_603] {strides = array<i32>} : memref<1024xf32, #tpu.memory_space<vmem>>, vector<16xf32>,
      %mul3A_605 = arith.mulf %get3A_602, %get3A_604 : vector<16xf32>
      %get3A_606 = arith.index_cast %mul3A_601 : i32 to index
      %get3A_607 = tpu.vector_load %arg12[%get3A_606] {strides = array<i32>} : memref<1024xf32, #tpu.memory_space<vmem>>, vector<16xf32>,
      %add3A_608 = arith.addf %get3A_607, %mul3A_605 : vector<16xf32>
      %swap3A = arith.index_cast %mul3A_601 : i32 to index
      %swap3A_609 = tpu.vector_load %arg12[%swap3A] {strides = array<i32>} : memref<1024xf32, #tpu.memory_space<vmem>>, vector<16xf32>,
      tpu.vector_store %arg12[%swap3A], %add3A_608 {strides = array<i32>} : memref<1024xf32, #tpu.memory_space<vmem>>, vector<16xf32>,
      %scan3A_610 = arith.constant 0 : i32
      scf.yield %scan3A_610 : i32
    }
    %scan3A_517 = arith.constant 32 : i32
    %eq3A_518 = arith.constant 0 : i32
    %eq3A_519 = arith.cmpi eq, %arg1, %eq3A_518 : i32
    %convert_element_type3A_520 = arith.extui %eq3A_519 : i1 to i32
    %cond3A_521 = arith.constant 0 : i32
    %cond3A_522 = arith.cmpi ne, %convert_element_type3A_520, %cond3A_521 : i32
    scf.if %cond3A_522 {
      %add3A_598 = arith.constant 7 : i32
      %add3A_599 = arith.addi %mul3A_2, %add3A_598 : i32
      %dma_wait3A_600 = arith.constant 0 : i32
      %dma_wait3A_601 = tpu.memref_slice %arg4[%add3A_599, %dma_wait3A_600] : memref<16x1000000xf32, #tpu.memory_space<hbm>> -> memref<1x1000000xf32, #tpu.memory_space<hbm>>
      %dma_wait3A_602 = tpu.memref_squeeze %dma_wait3A_601 : memref<1x1000000xf32, #tpu.memory_space<hbm>> -> memref<1000000xf32, #tpu.memory_space<hbm>>
      tpu.wait_dma2 semaphore(%arg16 : memref<!tpu.dma_semaphore, #tpu.memory_space<semaphore_mem>>) src(%dma_wait3A_602 : memref<1000000xf32, #tpu.memory_space<hbm>>) dst(%arg15 : memref<1000000xf32, #tpu.memory_space<vmem_shared>>)
    } else {
    }
    %barrier3A_523 = arith.constant 0 : index
    tpu.barrier barrier_id(%barrier3A_523)
    %dma_start3A_524 = arith.constant 0 : i32
    %dma_start3A_525 = tpu.memref_slice %arg10[%dma_start3A_524] : memref<1024xf32, #tpu.memory_space<vmem>> -> memref<512xf32, #tpu.memory_space<vmem>>
    %dma_start3A_526 = arith.constant 0 : i32
    %dma_start3A_527 = tpu.memref_slice %arg8[%dma_start3A_526] : memref<1024xi32, #tpu.memory_space<vmem>> -> memref<512xi32, #tpu.memory_space<vmem>>
    %dma_start3A_528 = arith.constant 0 : i32
    %dma_start3A_529 = tpu.memref_slice %arg15[%dma_start3A_528] : memref<1000000xf32, #tpu.memory_space<vmem_shared>> -> memref<1000000xf32, #tpu.memory_space<vmem_shared>>
    tpu.enqueue_indirect_dma source(%dma_start3A_529 : memref<1000000xf32, #tpu.memory_space<vmem_shared>>) target(%dma_start3A_525 : memref<512xf32, #tpu.memory_space<vmem>>) offsets(%dma_start3A_527 : memref<512xi32, #tpu.memory_space<vmem>>) semaphore(%arg17 : memref<!tpu.dma_semaphore, #tpu.memory_space<semaphore_mem>>)
    %dma_start3A_530 = arith.constant 0 : i32
    %dma_start3A_531 = tpu.memref_slice %arg11[%dma_start3A_530] : memref<1024xf32, #tpu.memory_space<vmem>> -> memref<512xf32, #tpu.memory_space<vmem>>
    %dma_start3A_532 = arith.constant 0 : i32
    %dma_start3A_533 = tpu.memref_slice %arg9[%dma_start3A_532] : memref<1024xi32, #tpu.memory_space<vmem>> -> memref<512xi32, #tpu.memory_space<vmem>>
    %dma_start3A_534 = arith.constant 0 : i32
    %dma_start3A_535 = tpu.memref_slice %arg15[%dma_start3A_534] : memref<1000000xf32, #tpu.memory_space<vmem_shared>> -> memref<1000000xf32, #tpu.memory_space<vmem_shared>>
    tpu.enqueue_indirect_dma source(%dma_start3A_535 : memref<1000000xf32, #tpu.memory_space<vmem_shared>>) target(%dma_start3A_531 : memref<512xf32, #tpu.memory_space<vmem>>) offsets(%dma_start3A_533 : memref<512xi32, #tpu.memory_space<vmem>>) semaphore(%arg17 : memref<!tpu.dma_semaphore, #tpu.memory_space<semaphore_mem>>)
    %dma_start3A_536 = arith.constant 512 : i32
    %dma_start3A_537 = tpu.memref_slice %arg10[%dma_start3A_536] : memref<1024xf32, #tpu.memory_space<vmem>> -> memref<512xf32, #tpu.memory_space<vmem>>
    %dma_start3A_538 = arith.constant 512 : i32
    %dma_start3A_539 = tpu.memref_slice %arg8[%dma_start3A_538] : memref<1024xi32, #tpu.memory_space<vmem>> -> memref<512xi32, #tpu.memory_space<vmem>>
    %dma_start3A_540 = arith.constant 0 : i32
    %dma_start3A_541 = tpu.memref_slice %arg15[%dma_start3A_540] : memref<1000000xf32, #tpu.memory_space<vmem_shared>> -> memref<1000000xf32, #tpu.memory_space<vmem_shared>>
    tpu.enqueue_indirect_dma source(%dma_start3A_541 : memref<1000000xf32, #tpu.memory_space<vmem_shared>>) target(%dma_start3A_537 : memref<512xf32, #tpu.memory_space<vmem>>) offsets(%dma_start3A_539 : memref<512xi32, #tpu.memory_space<vmem>>) semaphore(%arg17 : memref<!tpu.dma_semaphore, #tpu.memory_space<semaphore_mem>>)
    %dma_start3A_542 = arith.constant 512 : i32
    %dma_start3A_543 = tpu.memref_slice %arg11[%dma_start3A_542] : memref<1024xf32, #tpu.memory_space<vmem>> -> memref<512xf32, #tpu.memory_space<vmem>>
    %dma_start3A_544 = arith.constant 512 : i32
    %dma_start3A_545 = tpu.memref_slice %arg9[%dma_start3A_544] : memref<1024xi32, #tpu.memory_space<vmem>> -> memref<512xi32, #tpu.memory_space<vmem>>
    %dma_start3A_546 = arith.constant 0 : i32
    %dma_start3A_547 = tpu.memref_slice %arg15[%dma_start3A_546] : memref<1000000xf32, #tpu.memory_space<vmem_shared>> -> memref<1000000xf32, #tpu.memory_space<vmem_shared>>
    tpu.enqueue_indirect_dma source(%dma_start3A_547 : memref<1000000xf32, #tpu.memory_space<vmem_shared>>) target(%dma_start3A_543 : memref<512xf32, #tpu.memory_space<vmem>>) offsets(%dma_start3A_545 : memref<512xi32, #tpu.memory_space<vmem>>) semaphore(%arg17 : memref<!tpu.dma_semaphore, #tpu.memory_space<semaphore_mem>>)
    %dma_wait3A_548 = arith.constant 0 : i32
    %dma_wait3A_549 = tpu.memref_slice %arg10[%dma_wait3A_548] : memref<1024xf32, #tpu.memory_space<vmem>> -> memref<512xf32, #tpu.memory_space<vmem>>
    %dma_wait3A_550 = arith.constant 0 : i32
    %dma_wait3A_551 = tpu.memref_slice %arg8[%dma_wait3A_550] : memref<1024xi32, #tpu.memory_space<vmem>> -> memref<512xi32, #tpu.memory_space<vmem>>
    %dma_wait3A_552 = arith.constant 0 : i32
    %dma_wait3A_553 = tpu.memref_slice %arg15[%dma_wait3A_552] : memref<1000000xf32, #tpu.memory_space<vmem_shared>> -> memref<1000000xf32, #tpu.memory_space<vmem_shared>>
    tpu.wait_indirect_dma semaphore(%arg17 : memref<!tpu.dma_semaphore, #tpu.memory_space<semaphore_mem>>) src(%dma_wait3A_553 : memref<1000000xf32, #tpu.memory_space<vmem_shared>>) dst(%dma_wait3A_549 : memref<512xf32, #tpu.memory_space<vmem>>)
    %dma_wait3A_554 = arith.constant 0 : i32
    %dma_wait3A_555 = tpu.memref_slice %arg11[%dma_wait3A_554] : memref<1024xf32, #tpu.memory_space<vmem>> -> memref<512xf32, #tpu.memory_space<vmem>>
    %dma_wait3A_556 = arith.constant 0 : i32
    %dma_wait3A_557 = tpu.memref_slice %arg9[%dma_wait3A_556] : memref<1024xi32, #tpu.memory_space<vmem>> -> memref<512xi32, #tpu.memory_space<vmem>>
    %dma_wait3A_558 = arith.constant 0 : i32
    %dma_wait3A_559 = tpu.memref_slice %arg15[%dma_wait3A_558] : memref<1000000xf32, #tpu.memory_space<vmem_shared>> -> memref<1000000xf32, #tpu.memory_space<vmem_shared>>
    tpu.wait_indirect_dma semaphore(%arg17 : memref<!tpu.dma_semaphore, #tpu.memory_space<semaphore_mem>>) src(%dma_wait3A_559 : memref<1000000xf32, #tpu.memory_space<vmem_shared>>) dst(%dma_wait3A_555 : memref<512xf32, #tpu.memory_space<vmem>>)
    %scan3A_560 = arith.constant 0 : i32
    %scan3A_561 = arith.constant 0 : i32
    %scan3A_562 = arith.constant 32 : i32
    %scan3A_563 = arith.addi %scan3A_561, %scan3A_562 : i32
    %scan3A_564 = arith.constant 1 : i32
    %scan3A_565 = scf.for %scan3A_598 = %scan3A_561 to %scan3A_563 step %scan3A_564 iter_args(%scan3A_599 = %scan3A_560) -> (i32)  : i32 {
      %mul3A_600 = arith.constant 16 : i32
      %mul3A_601 = arith.muli %scan3A_598, %mul3A_600 : i32
      %get3A = arith.index_cast %mul3A_601 : i32 to index
      %get3A_602 = tpu.vector_load %arg10[%get3A] {strides = array<i32>} : memref<1024xf32, #tpu.memory_space<vmem>>, vector<16xf32>,
      %get3A_603 = arith.index_cast %mul3A_601 : i32 to index
      %get3A_604 = tpu.vector_load %arg11[%get3A_603] {strides = array<i32>} : memref<1024xf32, #tpu.memory_space<vmem>>, vector<16xf32>,
      %mul3A_605 = arith.mulf %get3A_602, %get3A_604 : vector<16xf32>
      %get3A_606 = arith.index_cast %mul3A_601 : i32 to index
      %get3A_607 = tpu.vector_load %arg12[%get3A_606] {strides = array<i32>} : memref<1024xf32, #tpu.memory_space<vmem>>, vector<16xf32>,
      %add3A_608 = arith.addf %get3A_607, %mul3A_605 : vector<16xf32>
      %swap3A = arith.index_cast %mul3A_601 : i32 to index
      %swap3A_609 = tpu.vector_load %arg12[%swap3A] {strides = array<i32>} : memref<1024xf32, #tpu.memory_space<vmem>>, vector<16xf32>,
      tpu.vector_store %arg12[%swap3A], %add3A_608 {strides = array<i32>} : memref<1024xf32, #tpu.memory_space<vmem>>, vector<16xf32>,
      %scan3A_610 = arith.constant 0 : i32
      scf.yield %scan3A_610 : i32
    }
    %scan3A_566 = arith.constant 32 : i32
    %dma_wait3A_567 = arith.constant 512 : i32
    %dma_wait3A_568 = tpu.memref_slice %arg10[%dma_wait3A_567] : memref<1024xf32, #tpu.memory_space<vmem>> -> memref<512xf32, #tpu.memory_space<vmem>>
    %dma_wait3A_569 = arith.constant 512 : i32
    %dma_wait3A_570 = tpu.memref_slice %arg8[%dma_wait3A_569] : memref<1024xi32, #tpu.memory_space<vmem>> -> memref<512xi32, #tpu.memory_space<vmem>>
    %dma_wait3A_571 = arith.constant 0 : i32
    %dma_wait3A_572 = tpu.memref_slice %arg15[%dma_wait3A_571] : memref<1000000xf32, #tpu.memory_space<vmem_shared>> -> memref<1000000xf32, #tpu.memory_space<vmem_shared>>
    tpu.wait_indirect_dma semaphore(%arg17 : memref<!tpu.dma_semaphore, #tpu.memory_space<semaphore_mem>>) src(%dma_wait3A_572 : memref<1000000xf32, #tpu.memory_space<vmem_shared>>) dst(%dma_wait3A_568 : memref<512xf32, #tpu.memory_space<vmem>>)
    %dma_wait3A_573 = arith.constant 512 : i32
    %dma_wait3A_574 = tpu.memref_slice %arg11[%dma_wait3A_573] : memref<1024xf32, #tpu.memory_space<vmem>> -> memref<512xf32, #tpu.memory_space<vmem>>
    %dma_wait3A_575 = arith.constant 512 : i32
    %dma_wait3A_576 = tpu.memref_slice %arg9[%dma_wait3A_575] : memref<1024xi32, #tpu.memory_space<vmem>> -> memref<512xi32, #tpu.memory_space<vmem>>
    %dma_wait3A_577 = arith.constant 0 : i32
    %dma_wait3A_578 = tpu.memref_slice %arg15[%dma_wait3A_577] : memref<1000000xf32, #tpu.memory_space<vmem_shared>> -> memref<1000000xf32, #tpu.memory_space<vmem_shared>>
    tpu.wait_indirect_dma semaphore(%arg17 : memref<!tpu.dma_semaphore, #tpu.memory_space<semaphore_mem>>) src(%dma_wait3A_578 : memref<1000000xf32, #tpu.memory_space<vmem_shared>>) dst(%dma_wait3A_574 : memref<512xf32, #tpu.memory_space<vmem>>)
    %scan3A_579 = arith.constant 0 : i32
    %scan3A_580 = arith.constant 32 : i32
    %scan3A_581 = arith.constant 32 : i32
    %scan3A_582 = arith.addi %scan3A_580, %scan3A_581 : i32
    %scan3A_583 = arith.constant 1 : i32
    %scan3A_584 = scf.for %scan3A_598 = %scan3A_580 to %scan3A_582 step %scan3A_583 iter_args(%scan3A_599 = %scan3A_579) -> (i32)  : i32 {
      %mul3A_600 = arith.constant 16 : i32
      %mul3A_601 = arith.muli %scan3A_598, %mul3A_600 : i32
      %get3A = arith.index_cast %mul3A_601 : i32 to index
      %get3A_602 = tpu.vector_load %arg10[%get3A] {strides = array<i32>} : memref<1024xf32, #tpu.memory_space<vmem>>, vector<16xf32>,
      %get3A_603 = arith.index_cast %mul3A_601 : i32 to index
      %get3A_604 = tpu.vector_load %arg11[%get3A_603] {strides = array<i32>} : memref<1024xf32, #tpu.memory_space<vmem>>, vector<16xf32>,
      %mul3A_605 = arith.mulf %get3A_602, %get3A_604 : vector<16xf32>
      %get3A_606 = arith.index_cast %mul3A_601 : i32 to index
      %get3A_607 = tpu.vector_load %arg12[%get3A_606] {strides = array<i32>} : memref<1024xf32, #tpu.memory_space<vmem>>, vector<16xf32>,
      %add3A_608 = arith.addf %get3A_607, %mul3A_605 : vector<16xf32>
      %swap3A = arith.index_cast %mul3A_601 : i32 to index
      %swap3A_609 = tpu.vector_load %arg12[%swap3A] {strides = array<i32>} : memref<1024xf32, #tpu.memory_space<vmem>>, vector<16xf32>,
      tpu.vector_store %arg12[%swap3A], %add3A_608 {strides = array<i32>} : memref<1024xf32, #tpu.memory_space<vmem>>, vector<16xf32>,
      %scan3A_610 = arith.constant 0 : i32
      scf.yield %scan3A_610 : i32
    }
    %scan3A_585 = arith.constant 32 : i32
    %eq3A_586 = arith.constant 0 : i32
    %eq3A_587 = arith.cmpi eq, %arg0, %eq3A_586 : i32
    %convert_element_type3A_588 = arith.extui %eq3A_587 : i1 to i32
    %cond3A_589 = arith.constant 0 : i32
    %cond3A_590 = arith.cmpi ne, %convert_element_type3A_588, %cond3A_589 : i32
    scf.if %cond3A_590 {
      %scan3A_598 = arith.constant 0 : i32
      %scan3A_599 = arith.constant 0 : i32
      %scan3A_600 = arith.constant 64 : i32
      %scan3A_601 = arith.addi %scan3A_599, %scan3A_600 : i32
      %scan3A_602 = arith.constant 1 : i32
      %scan3A_603 = scf.for %scan3A_617 = %scan3A_599 to %scan3A_601 step %scan3A_602 iter_args(%scan3A_618 = %scan3A_598) -> (i32)  : i32 {
        %mul3A_619 = arith.constant 16 : i32
        %mul3A_620 = arith.muli %scan3A_617, %mul3A_619 : i32
        %get3A_621 = arith.index_cast %mul3A_620 : i32 to index
        %get3A_622 = tpu.vector_load %arg8[%get3A_621] {strides = array<i32>} : memref<1024xi32, #tpu.memory_space<vmem>>, vector<16xi32>,
        %add3A_623 = arith.constant 1 : i32
        %add3A_624 = vector.broadcast %add3A_623 : i32 to vector<16xi32>
        %add3A_625 = arith.addi %get3A_622, %add3A_624 : vector<16xi32>
        %swap3A = arith.index_cast %mul3A_620 : i32 to index
        %swap3A_626 = tpu.vector_load %arg8[%swap3A] {strides = array<i32>} : memref<1024xi32, #tpu.memory_space<vmem>>, vector<16xi32>,
        tpu.vector_store %arg8[%swap3A], %add3A_625 {strides = array<i32>} : memref<1024xi32, #tpu.memory_space<vmem>>, vector<16xi32>,
        %scan3A_627 = arith.constant 0 : i32
        scf.yield %scan3A_627 : i32
      }
      %scan3A_604 = arith.constant 64 : i32
      %dma_start3A_605 = arith.constant 0 : i32
      %dma_start3A_606 = tpu.memref_slice %arg5[%dma_start3A_605] : memref<1000001xf32, #tpu.memory_space<hbm>> -> memref<1000001xf32, #tpu.memory_space<hbm>>
      tpu.enqueue_indirect_dma source(%dma_start3A_606 : memref<1000001xf32, #tpu.memory_space<hbm>>) target(%arg10 : memref<1024xf32, #tpu.memory_space<vmem>>) offsets(%arg8 : memref<1024xi32, #tpu.memory_space<vmem>>) semaphore(%arg18 : memref<!tpu.dma_semaphore, #tpu.memory_space<semaphore_mem>>)
      %dma_wait3A_607 = arith.constant 0 : i32
      %dma_wait3A_608 = tpu.memref_slice %arg5[%dma_wait3A_607] : memref<1000001xf32, #tpu.memory_space<hbm>> -> memref<1000001xf32, #tpu.memory_space<hbm>>
      tpu.wait_indirect_dma semaphore(%arg18 : memref<!tpu.dma_semaphore, #tpu.memory_space<semaphore_mem>>) src(%dma_wait3A_608 : memref<1000001xf32, #tpu.memory_space<hbm>>) dst(%arg10 : memref<1024xf32, #tpu.memory_space<vmem>>)
      %get3A = arith.constant 0 : index
      %get3A_609 = tpu.vector_load %arg13[%get3A] {strides = array<i32>} : memref<16xf32, #tpu.memory_space<vmem>>, vector<16xf32>,
      %slice3A = vector.extract_strided_slice %get3A_609 {offsets = [0], sizes = [1], strides = [1]} : vector<16xf32> to vector<1xf32>
      %squeeze3A = vector.extract %slice3A[0] : f32 from vector<1xf32>
      %scan3A_610 = arith.constant 0 : i32
      %scan3A_611 = arith.constant 0 : i32
      %scan3A_612 = arith.constant 64 : i32
      %scan3A_613 = arith.addi %scan3A_611, %scan3A_612 : i32
      %scan3A_614 = arith.constant 1 : i32
      %scan3A_615 = scf.for %scan3A_617 = %scan3A_611 to %scan3A_613 step %scan3A_614 iter_args(%scan3A_618 = %scan3A_610) -> (i32)  : i32 {
        %mul3A_619 = arith.constant 16 : i32
        %mul3A_620 = arith.muli %scan3A_617, %mul3A_619 : i32
        %get3A_621 = arith.index_cast %mul3A_620 : i32 to index
        %get3A_622 = tpu.vector_load %arg12[%get3A_621] {strides = array<i32>} : memref<1024xf32, #tpu.memory_space<vmem>>, vector<16xf32>,
        %get3A_623 = arith.index_cast %mul3A_620 : i32 to index
        %get3A_624 = tpu.vector_load %arg10[%get3A_623] {strides = array<i32>} : memref<1024xf32, #tpu.memory_space<vmem>>, vector<16xf32>,
        %add3A_625 = arith.addf %get3A_622, %get3A_624 : vector<16xf32>
        %add3A_626 = vector.broadcast %squeeze3A : f32 to vector<16xf32>
        %add3A_627 = arith.addf %add3A_625, %add3A_626 : vector<16xf32>
        %swap3A = arith.index_cast %mul3A_620 : i32 to index
        %swap3A_628 = tpu.vector_load %arg12[%swap3A] {strides = array<i32>} : memref<1024xf32, #tpu.memory_space<vmem>>, vector<16xf32>,
        tpu.vector_store %arg12[%swap3A], %add3A_627 {strides = array<i32>} : memref<1024xf32, #tpu.memory_space<vmem>>, vector<16xf32>,
        %scan3A_629 = arith.constant 0 : i32
        scf.yield %scan3A_629 : i32
      }
      %scan3A_616 = arith.constant 64 : i32
    } else {
    }
    %eq3A_591 = arith.constant 1 : i32
    %eq3A_592 = arith.cmpi eq, %arg0, %eq3A_591 : i32
    %convert_element_type3A_593 = arith.extui %eq3A_592 : i1 to i32
    %cond3A_594 = arith.constant 0 : i32
    %cond3A_595 = arith.cmpi ne, %convert_element_type3A_593, %cond3A_594 : i32
    scf.if %cond3A_595 {
      %scan3A_598 = arith.constant 0 : i32
      %scan3A_599 = arith.constant 0 : i32
      %scan3A_600 = arith.constant 64 : i32
      %scan3A_601 = arith.addi %scan3A_599, %scan3A_600 : i32
      %scan3A_602 = arith.constant 1 : i32
      %scan3A_603 = scf.for %scan3A_616 = %scan3A_599 to %scan3A_601 step %scan3A_602 iter_args(%scan3A_617 = %scan3A_598) -> (i32)  : i32 {
        %mul3A_618 = arith.constant 16 : i32
        %mul3A_619 = arith.muli %scan3A_616, %mul3A_618 : i32
        %get3A = arith.index_cast %mul3A_619 : i32 to index
        %get3A_620 = tpu.vector_load %arg9[%get3A] {strides = array<i32>} : memref<1024xi32, #tpu.memory_space<vmem>>, vector<16xi32>,
        %add3A_621 = arith.constant 1 : i32
        %add3A_622 = vector.broadcast %add3A_621 : i32 to vector<16xi32>
        %add3A_623 = arith.addi %get3A_620, %add3A_622 : vector<16xi32>
        %swap3A = arith.index_cast %mul3A_619 : i32 to index
        %swap3A_624 = tpu.vector_load %arg9[%swap3A] {strides = array<i32>} : memref<1024xi32, #tpu.memory_space<vmem>>, vector<16xi32>,
        tpu.vector_store %arg9[%swap3A], %add3A_623 {strides = array<i32>} : memref<1024xi32, #tpu.memory_space<vmem>>, vector<16xi32>,
        %scan3A_625 = arith.constant 0 : i32
        scf.yield %scan3A_625 : i32
      }
      %scan3A_604 = arith.constant 64 : i32
      %dma_start3A_605 = arith.constant 0 : i32
      %dma_start3A_606 = tpu.memref_slice %arg5[%dma_start3A_605] : memref<1000001xf32, #tpu.memory_space<hbm>> -> memref<1000001xf32, #tpu.memory_space<hbm>>
      tpu.enqueue_indirect_dma source(%dma_start3A_606 : memref<1000001xf32, #tpu.memory_space<hbm>>) target(%arg10 : memref<1024xf32, #tpu.memory_space<vmem>>) offsets(%arg9 : memref<1024xi32, #tpu.memory_space<vmem>>) semaphore(%arg18 : memref<!tpu.dma_semaphore, #tpu.memory_space<semaphore_mem>>)
      %dma_wait3A_607 = arith.constant 0 : i32
      %dma_wait3A_608 = tpu.memref_slice %arg5[%dma_wait3A_607] : memref<1000001xf32, #tpu.memory_space<hbm>> -> memref<1000001xf32, #tpu.memory_space<hbm>>
      tpu.wait_indirect_dma semaphore(%arg18 : memref<!tpu.dma_semaphore, #tpu.memory_space<semaphore_mem>>) src(%dma_wait3A_608 : memref<1000001xf32, #tpu.memory_space<hbm>>) dst(%arg10 : memref<1024xf32, #tpu.memory_space<vmem>>)
      %scan3A_609 = arith.constant 0 : i32
      %scan3A_610 = arith.constant 0 : i32
      %scan3A_611 = arith.constant 64 : i32
      %scan3A_612 = arith.addi %scan3A_610, %scan3A_611 : i32
      %scan3A_613 = arith.constant 1 : i32
      %scan3A_614 = scf.for %scan3A_616 = %scan3A_610 to %scan3A_612 step %scan3A_613 iter_args(%scan3A_617 = %scan3A_609) -> (i32)  : i32 {
        %mul3A_618 = arith.constant 16 : i32
        %mul3A_619 = arith.muli %scan3A_616, %mul3A_618 : i32
        %get3A = arith.index_cast %mul3A_619 : i32 to index
        %get3A_620 = tpu.vector_load %arg12[%get3A] {strides = array<i32>} : memref<1024xf32, #tpu.memory_space<vmem>>, vector<16xf32>,
        %get3A_621 = arith.index_cast %mul3A_619 : i32 to index
        %get3A_622 = tpu.vector_load %arg10[%get3A_621] {strides = array<i32>} : memref<1024xf32, #tpu.memory_space<vmem>>, vector<16xf32>,
        %add3A_623 = arith.addf %get3A_620, %get3A_622 : vector<16xf32>
        %swap3A = arith.index_cast %mul3A_619 : i32 to index
        %swap3A_624 = tpu.vector_load %arg12[%swap3A] {strides = array<i32>} : memref<1024xf32, #tpu.memory_space<vmem>>, vector<16xf32>,
        tpu.vector_store %arg12[%swap3A], %add3A_623 {strides = array<i32>} : memref<1024xf32, #tpu.memory_space<vmem>>, vector<16xf32>,
        %scan3A_625 = arith.constant 0 : i32
        scf.yield %scan3A_625 : i32
      }
      %scan3A_615 = arith.constant 64 : i32
    } else {
    }
    %mul3A_596 = arith.constant 16384 : i32
    %mul3A_597 = arith.muli %arg0, %mul3A_596 : i32
    %add3A = arith.addi %mul3A_597, %mul3A_0 : i32
    "tpu.region"() ({
      %run_scoped3A = tpu.sem_alloc : memref<!tpu.dma_semaphore, #tpu.memory_space<semaphore_mem>>
      %dma_start3A_598 = tpu.memref_slice %arg7[%add3A] : memref<32768xf32, #tpu.memory_space<hbm>> -> memref<1024xf32, #tpu.memory_space<hbm>>
      %dma_start3A_599 = tpu.memref_slice %arg7[%add3A] : memref<32768xf32, #tpu.memory_space<hbm>> -> memref<1024xf32, #tpu.memory_space<hbm>>
      tpu.enqueue_dma source(%arg12 : memref<1024xf32, #tpu.memory_space<vmem>>) target(%dma_start3A_599 : memref<1024xf32, #tpu.memory_space<hbm>>) target_semaphore(%run_scoped3A : memref<!tpu.dma_semaphore, #tpu.memory_space<semaphore_mem>>)
      %dma_wait3A_600 = tpu.memref_slice %arg7[%add3A] : memref<32768xf32, #tpu.memory_space<hbm>> -> memref<1024xf32, #tpu.memory_space<hbm>>
      %dma_wait3A_601 = tpu.memref_slice %arg7[%add3A] : memref<32768xf32, #tpu.memory_space<hbm>> -> memref<1024xf32, #tpu.memory_space<hbm>>
      tpu.wait_dma2 semaphore(%run_scoped3A : memref<!tpu.dma_semaphore, #tpu.memory_space<semaphore_mem>>) src(%arg12 : memref<1024xf32, #tpu.memory_space<vmem>>) dst(%dma_wait3A_601 : memref<1024xf32, #tpu.memory_space<hbm>>)
      tpu.yield
    }) : () -> ()
    return
  }
}

</mosaic_0001>

<sc_bundles>
// kernel: kernel.3.cloned.1.call-start
scs
__scs_entry_jumppad:
0x0: {  	(pc) =	sbr.rel $0x88, $3  }
0x1: {  	(tag) =	ssettag $0x0;
	lr =	simm.s32 $0x1  }
0x2: {  	[smem:$0x3F9C] =	sst lr;
	_ =	strace $0xD0000000  }
0x3: {  	_ = 	snop  }
0x4: {  	_ = 	snop  }
0x5: {  	_ = 	snop  }
0x6: {  	_ = 	snop  }
0x7: {  	_ = 	snop  }
__scs_overlays_trampoline_lowered:
0x8: {  	[smem:$0x3FAB] =	sst s0  }
0x9: {  	[smem:$0x3FAC] =	sst s1  }
0xa: {  	[smem:$0x3FAD] =	sst s2  }
0xb: {  	[smem:$0x3FAE] =	sst s3  }
0xc: {  	[smem:$0x3FAF] =	sst s4  }
0xd: {  	[smem:$0x3FB0] =	sst s5  }
0xe: {  	[smem:$0x3FB1] =	sst s6  }
0xf: {  	[smem:$0x3FB2] =	sst s7  }
0x10: {  	[smem:$0x3FB3] =	sst s8  }
0x11: {  	[smem:$0x3FB4] =	sst s9;
	s0 =	simm.s32 @!p0 $0x0  }
0x12: {  	s1 =	sld [smem:$0x3F9A];
	s0 =	simm.s32 @p0 $0x1  }
0x13: {  	[smem:$0x3FB5] =	sst s0;
	s0 =	simm.s32 @!p1 $0x0  }
0x14: {  	s2 =	sld [smem:$0x3F99];
	s0 =	simm.s32 @p1 $0x1  }
0x15: {  	[smem:$0x3FB6] =	sst s0;
	s0 =	simm.s32 @!p2 $0x0  }
0x16: {  	s3 =	sld [smem:$0x3FDB];
	s0 =	simm.s32 @p2 $0x1  }
0x17: {  	s4 =	simm.s32 $0x1BF5;
	[smem:$0x3FB8] =	sst s0  }
0x18: {  	s0 =	sld [smem:$0x3F9B];
	_ =	swait.ge [sflag:s4], $0x0  }
0x19: {  	s7 =	sld [smem:$0x3F9C]  }
0x1a: {  	s8 =	sadd.s32 $0xFFFFE003, lr  }
0x1b: {  	s9 =	sadd.s32 $0xFFFFFEF7, lr;
	s5 =	simm.s32 $0xFFFFFFFF;
	p2 =	slt.u32 s8, $0xFFFFF086  }
0x1c: {  	p1 =	slt.u32 s9, $0xF7A;
	s5 =	simm.s32 @!p2 $0x0  }
0x1d: {  	s5 =	simm.s32 @p1 $0x1;
	p0 =	seq.s32 s7, s2  }
0x1e: {  	s7 =	smul.u32 @!p0 $0xF7A, s2;
	p2 =	seq.s32 @!p0 s5, $0x0  }
0x1f: {  	s9 =	smul.u32 $0xF7A, s1;
	s8 =	simm.s32 @!p0 $0x1BF5;
	p2 =	por !p2, p0  }
0x20: {  	[sflag:s8] =	ssyncset.s32 @!p0 $0xFFFFF086;
	s6 =	sadd.s32 @!p0 s3, s7;
	s7 =	simm.s32 @!p0 $0x108  }
0x21: {  	s3 =	sadd.s32 s3, s9;
	s6 =	sadd.s32 @!p0 $0x88, s6;
	s7 =	simm.s32 @p2 $0x1082  }
0x22: {  	[simem:s7], [sflag:s8] =	dma.local @!p0 [hbm:s6], $0xF7A  }
0x23: {  	s9 =	sor.u32 $0xD0000000, s2;
	s6 =	simm.s32 $0x108;
	_ =	swait.ge @!p0 [sflag:s8], $0x0  }
0x24: {  	s3 =	sadd.s32 $0x88, s3;
	s6 =	simm.s32 @!p1 $0x1082;
	[sflag:s4] =	ssyncset.s32 $0xFFFFF086  }
0x25: {  	[simem:s6], [sflag:s4] =	dma.local [hbm:s3], $0xF7A  }
0x26: {  	[smem:$0x3F9C] =	sst s1;
	(tag) =	ssettag s2;
	_ =	strace s9  }
0x27: {  	s1 =	sld [smem:$0x3FAC]  }
0x28: {  	s2 =	sld [smem:$0x3FAD]  }
0x29: {  	s4 =	sld [smem:$0x3FAF]  }
0x2a: {  	p0 =	seq.s32 s5, $0x0;
	s5 =	sld [smem:$0x3FB0]  }
0x2b: {  	s6 =	sld [smem:$0x3FB1]  }
0x2c: {  	s7 =	sld [smem:$0x3FB2]  }
0x2d: {  	s3 =	simm.s32 $0x108;
	s8 =	sld [smem:$0x3FB3]  }
0x2e: {  	s3 =	simm.s32 @!p0 $0x1082;
	s9 =	sld [smem:$0x3FB4]  }
0x2f: {  	lr =	sadd.s32 s0, s3;
	s0 =	sld [smem:$0x3FAB]  }
0x30: {  	s3 =	sld [smem:$0x3FAE]  }
0x31: {  	[smem:$0x3FB7] =	sst s10  }
0x32: {  	s10 =	sld [smem:$0x3FB5];
	_ =	sdelay $0x3  }
0x33: {  	p0 =	seq.s32 s10, $0x1;
	s10 =	sld [smem:$0x3FB7];
	_ =	sdelay $0x3  }
0x34: {  	[smem:$0x3FB7] =	sst s10  }
0x35: {  	s10 =	sld [smem:$0x3FB6];
	_ =	sdelay $0x3  }
0x36: {  	p1 =	seq.s32 s10, $0x1;
	s10 =	sld [smem:$0x3FB7];
	_ =	sdelay $0x3  }
0x37: {  	[smem:$0x3FB7] =	sst s10  }
0x38: {  	s10 =	sld [smem:$0x3FB8]  }
0x39: {  	_ = 	snop;
	(pc) =	sbr.ind lr, $3  }
0x3a: {  	_ = 	snop  }
0x3b: {  	_ = 	snop  }
0x3c: {  	p2 =	seq.s32 s10, $0x1;
	s10 =	sld [smem:$0x3FB7]  }
0x3d: {  	_ =	shalt  }
0x3e: {  	_ =	shalt  }
0x3f: {  	_ =	shalt  }
0x40: {  	_ =	shalt  }
0x41: {  	_ =	shalt  }
0x42: {  	_ =	shalt  }
0x43: {  	_ =	shalt  }
0x44: {  	_ =	shalt  }
0x45: {  	_ =	shalt  }
0x46: {  	_ =	shalt  }
0x47: {  	_ =	shalt  }
0x48: {  	_ =	shalt  }
0x49: {  	_ =	shalt  }
0x4a: {  	_ =	shalt  }
0x4b: {  	_ =	shalt  }
0x4c: {  	_ =	shalt  }
0x4d: {  	_ =	shalt  }
0x4e: {  	_ =	shalt  }
0x4f: {  	_ =	shalt  }
0x50: {  	_ =	shalt  }
0x51: {  	_ =	shalt  }
0x52: {  	_ =	shalt  }
0x53: {  	_ =	shalt  }
0x54: {  	_ =	shalt  }
0x55: {  	_ =	shalt  }
0x56: {  	_ =	shalt  }
0x57: {  	_ =	shalt  }
0x58: {  	_ =	shalt  }
0x59: {  	_ =	shalt  }
0x5a: {  	_ =	shalt  }
0x5b: {  	_ =	shalt  }
0x5c: {  	_ =	shalt  }
0x5d: {  	_ =	shalt  }
0x5e: {  	_ =	shalt  }
0x5f: {  	_ =	shalt  }
0x60: {  	_ =	shalt  }
0x61: {  	_ =	shalt  }
0x62: {  	_ =	shalt  }
0x63: {  	_ =	shalt  }
0x64: {  	_ =	shalt  }
0x65: {  	_ =	shalt  }
0x66: {  	_ =	shalt  }
0x67: {  	_ =	shalt  }
0x68: {  	_ =	shalt  }
0x69: {  	_ =	shalt  }
0x6a: {  	_ =	shalt  }
0x6b: {  	_ =	shalt  }
0x6c: {  	_ =	shalt  }
0x6d: {  	_ =	shalt  }
0x6e: {  	_ =	shalt  }
0x6f: {  	_ =	shalt  }
0x70: {  	_ =	shalt  }
0x71: {  	_ =	shalt  }
0x72: {  	_ =	shalt  }
0x73: {  	_ =	shalt  }
0x74: {  	_ =	shalt  }
0x75: {  	_ =	shalt  }
0x76: {  	_ =	shalt  }
0x77: {  	_ =	shalt  }
0x78: {  	_ =	shalt  }
0x79: {  	_ =	shalt  }
0x7a: {  	_ =	shalt  }
0x7b: {  	_ =	shalt  }
0x7c: {  	_ =	shalt  }
0x7d: {  	_ =	shalt  }
0x7e: {  	_ =	shalt  }
0x7f: {  	_ =	shalt  }
0x80: {  	_ =	shalt  }
0x81: {  	_ =	shalt  }
0x82: {  	_ =	shalt  }
0x83: {  	_ =	shalt  }
0x84: {  	_ =	shalt  }
0x85: {  	_ =	shalt  }
0x86: {  	_ =	shalt  }
0x87: {  	_ =	shalt  }
.Lfunc_end0:
.L_simem_size_0:
called_computation_lowered:
.L_overlay_start_0:
0x88: {  	s2 =	sld [smem:$0x3FD9]  }
0x89: {  	s3 =	sld [smem:$0x3FFE];
	_ =	sdelay $0x1  }
0x8a: {  	s1 =	srdreg.scid  }
0x8b: {  	s0 =	sand.u32 $0x1, s1  }
0x8c: {  	s17 =	sshll.u32 s0, $0xA;
	s2 =	sadd.s32 s3, s2  }
0x8d: {  	s2 =	sadd.s32 s2, s17  }
0x8e: {  	[smem:$0x3FC3] =	sst s2  }
0x8f: {  	_ = 	snop  }
0x90: {  	s2 =	sld [smem:$0x3FC9]  }
0x91: {  	s18 =	sld [smem:$0x3FC8]  }
0x92: {  	s4 =	sld [smem:$0x3FC7]  }
0x93: {  	s5 =	sld [smem:$0x3FC6];
	(tm) =	ssettm $0x1  }
0x94: {  	s6 =	sld [smem:$0x3FFB];
	_ =	sdelay $0x3  }
0x95: {  	_ =	strace s6  }
0x96: {  	s6 =	sld [smem:$0x3FFC];
	_ =	sdelay $0x3  }
0x97: {  	_ =	strace s6  }
0x98: {  	s6 =	sld [smem:$0x3FFD];
	_ =	sdelay $0x3  }
0x99: {  	_ =	strace s6  }
0x9a: {  	_ =	strace $0x8FFFFFFF  }
0x9b: {  	s19 =	sld [smem:$0x3FDB];
	_ =	sdelay $0x1  }
0x9c: {  	s7 =	simm.s32 $_scs_section_size  }
0x9d: {  	s8 =	simm.s32 $_size__tile_overlayer_lowered;
	s9 =	simm.s32 $_tile_overlayer_lowered  }
0x9e: {  	s22 =	simm.s32 $0x1BFF;
	s21 =	sshll.u32 s9, $0x1;
	s6 =	sadd.s32 s7, s19  }
0x9f: {  	s10 =	simm.s32 $0x0;
	s20 =	sshll.u32 s8, $0x1;
	s8 =	sadd.s32 s21, s6  }
0xa0: {  	[timem:s10], [sflag:s22] =	dma.local [hbm:s8], s20  }
0xa1: {  	_ =	swait.ge [sflag:s22], s20  }
0xa2: {  	s7 =	ssub.s32 $0x0, s20;
	[sflag:s22] =	ssyncset.done $0x0  }
0xa3: {  	[sflag:s22] =	ssyncadd.s32 s7;
	_ =	sdelay $0x1  }
0xa4: {  	s23 =	simm.s32 $0x1B8B  }
0xa5: {  	_ =	swait.ge [sflag:s23], $0x1  }
0xa6: {  	[sflag:s23] =	ssyncset.done $0x0  }
0xa7: {  	s25 =	simm.s32 $0x1B8E;
	s24 =	sld [smem:$0x3FFE];
	[sflag:s23] =	ssyncadd.s32 $0xFFFFFFFF  }
0xa8: {  	s26 =	simm.s32 $execute0_lowered;
	[smem:$0x3FD2] =	sst s25  }
0xa9: {  	s8 =	sshll.u32 s26, $0x1;
	_ =	strace $0x80000046;
	[dreg:$0x1] =	wrdreg $0xFFFFFFFF  }
0xaa: {  	s28 =	simm.s32 $_size_execute0_lowered;
	s6 =	sadd.s32 s6, s8;
	[dreg:$0x0] =	wrdreg $0x0  }
0xab: {  	s8 =	sshll.u32 s28, $0x1;
	[dreg:$0x2] =	wrdreg s6  }
0xac: {  	[dreg:$0x3] =	wrdreg s8  }
0xad: {  	[dreg:$0x4] =	wrdreg $0xC0  }
0xae: {  	_ =	task [dreg:s10], $0x5FFFF  }
0xaf: {  	[dreg:$0x1] =	wrdreg $0xFFFFFFFF  }
0xb0: {  	[dreg:$0x0] =	wrdreg $0x60  }
0xb1: {  	[dreg:$0x2] =	wrdreg s2  }
0xb2: {  	[dreg:$0x3] =	wrdreg s18  }
0xb3: {  	[dreg:$0x4] =	wrdreg s4  }
0xb4: {  	[dreg:$0x5] =	wrdreg s5  }
0xb5: {  	[dreg:$0x6] =	wrdreg s24  }
0xb6: {  	[dreg:$0x7] =	wrdreg $0x14800  }
0xb7: {  	[dreg:$0x8] =	wrdreg $0x108A80  }
0xb8: {  	[dreg:$0x9] =	wrdreg $0x9  }
0xb9: {  	_ =	task.clear_ibuf [dreg:s10], $0xAFFFF;
	_ =	strace $0x90000046  }
0xba: {  	s29 =	simm.s32 $0x9;
	_ =	strace $0x80000048  }
0xbb: {  	_ =	swait.ge [sflag:s29], $0x1  }
0xbc: {  	[sflag:s29] =	ssyncadd.s32 $0xFFFFFFFF  }
0xbd: {  	_ =	strace $0x90000048  }
0xbe: {  	_ =	sfence  }
0xbf: {  	s30 =	sld [smem:$0x0];
	_ =	sdelay $0x2  }
0xc0: {  	s31 =	sshll.u32 s1, $0xD;
	s1 =	sshrl.u32 s1, $0x2  }
0xc1: {  	s3 =	sand.u32 $0x4000, s31;
	s1 =	sadd.s32 s1, s30  }
0xc2: {  	s0 =	sor.u32 s3, s0;
	s1 =	sshll.u32 s1, $0x11  }
0xc3: {  	s0 =	sor.u32 s1, s0  }
0xc4: {  	s0 =	sadd.s32 $0x8F2B, s0  }
0xc5: {  	[sflag:s0] =	ssyncadd.remote.s32 $0x1  }
0xc6: {  	_ =	sfence.sel $0xFFFF  }
0xc7: {  	[dreg:$0x0] =	wrdreg $0xFFFFFFFF;
	(pc) =	sbr.abs _section_cstart, $3  }
0xc8: {  	[dreg:$0x1] =	wrdreg $0xFFFFFFFF  }
0xc9: {  	_ =	task.clear_ibuf [dreg:s10], $0x2FFFF;
	_ =	strace $0x9FFFFFFF  }
0xca: {  	(tm) =	ssettm $0x7FFFFFFF  }
0xcb: {  	_ =	shalt  }
tec
execute0_lowered:
.L_overlay_start_1:
0x0: {  	(tag) =	ssettag $0x1  }
0x1: {  	s0 =	rddreg [dreg:$0x0]  }
0x2: {  	s1 =	rddreg [dreg:$0x1]  }
0x3: {  	s5 =	rddreg [dreg:$0x2]  }
0x4: {  	s6 =	rddreg [dreg:$0x4]  }
0x5: {  	s2 =	rddreg [dreg:$0x5]  }
0x6: {  	s3 =	rddreg [dreg:$0x6]  }
0x7: {  	s4 =	simm.s32 $0x0;
	s7 =	srdreg.scid;
	s18 =	stileid.u32  }
0x8: {  	s23 =	simm.s32 $0x200;
	s24 =	simm.s32 $0x800;
	s28 =	simm.s32 $0x600  }
0x9: {  	s29 =	simm.s32 $0xE00;
	s30 =	simm.s32 $0x2;
	s31 =	simm.s32 $0x3  }
0xa: {  	[smem:$0x7FF] =	sst s4;
	s16 =	sand.u32 $0x1, s7;
	s9 =	sadd.s32 $0x400, s6  }
0xb: {  	s25 =	sshll.u32 s18, $0x7;
	p0 =	sne.s32 s18, $0x0;
	s18 =	simm.s32 $0x4  }
0xc: {  	_ =	strace $0x80000047;
	s7 =	ssub.s32 $0x2, s16;
	s8 =	smul.u32 $0xF4280, s16  }
0xd: {  	[dreg:$0x8] =	wrdreg s9;
	s17 =	sadd.s32 s25, s6;
	s0 =	sadd.s32 s0, s25  }
0xe: {  	s26 =	sshll.u32 s16, $0xB;
	p1 =	seq.s32 s16, $0x1;
	s21 =	sshrl.u32 @!p0 s2, $0x3  }
0xf: {  	s22 =	sshrl.u32 @!p0 s3, $0x3;
	s10 =	sshrl.u32 s7, $0x1;
	[dreg:$0x9] =	wrdreg s0  }
0x10: {  	s0 =	sadd.s32 s26, s17;
	s26 =	simm.s32 $0xA00;
	s19 =	ssub.s32 s7, s10  }
.Ltmp0:
0x11: {  	s6 =	sadd.s32 s5, s8;
	s8 =	sadd.s32 s1, s25;
	(pc) =	sbr.rel .LBB2_1-.Ltmp0, $4  }
0x12: {  	s16 =	sadd.s32 $0x600, s0;
	s25 =	simm.s32 $0xC00;
	s1 =	simm.s32 $0x0  }
0x13: {  	s9 =	sadd.s32 $0x10, s6;
	s10 =	sadd.s32 $0x20, s6;
	s11 =	sadd.s32 $0x30, s6  }
0x14: {  	s12 =	sadd.s32 $0x40, s6;
	s13 =	sadd.s32 $0x50, s6;
	s14 =	sadd.s32 $0x60, s6  }
0x15: {  	s15 =	sadd.s32 $0x70, s6;
	s17 =	smax.u32 s19, $0x1;
	s19 =	simm.s32 $0x400  }
.LBB2_37:
0x16: {  	v2 =	vld [tilespmem:s20+$0x1000];
	_ =	sdelay $0x4  }
0x17: {  	v1 =	vadd.f32 v1, v2;
	_ =	sdelay $0x1  }
0x18: {  	v0 =	vadd.f32 v1, v0;
	_ =	sdelay $0x1  }
0x19: {  	[tilespmem:s20+$0x1000] =	vst v0  }
.LBB2_42:
0x1a: {  	s1 =	sadd.s32 $0x1, s1  }
0x1b: {  	p2 =	sne.s32 s1, s17  }
.Ltmp1:
0x1c: {  	s0 =	simm.s32 $0x1000;
	(pc) =	sbr.rel @!p2 .LBB2_43-.Ltmp1, $4  }
0x1d: {  	[hbm4b:s16+s4] =	stream.linear.scatter [tilespmem:s0], [sflag:$0x4], $0x400, $0x38;
	[tilespmem:$0x1FCD0] =	vst v63  }
0x1e: {  	_ =	swait.ge [sflag:s18], $0x400  }
0x1f: {  	[sflag:s18] =	ssyncset.done $0x0  }
0x20: {  	[sflag:s18] =	ssyncadd.s32 $0xFFFFFC00  }
.LBB2_1:
0x21: {  	s0 =	rddreg [dreg:$0x9]  }
0x22: {  	[tilespmem:s4], [sflag:$0x4] =	stream.linear.gather [hbm4b:s0+s4], $0x400, $0x38;
	[tilespmem:$0x1FCD0] =	vst v63  }
0x23: {  	_ =	swait.ge [sflag:s18], $0x400  }
0x24: {  	[sflag:s18] =	ssyncset.done $0x0  }
0x25: {  	[sflag:s18] =	ssyncadd.s32 $0xFFFFFC00  }
0x26: {  	[tilespmem:s19], [sflag:$0x4] =	stream.linear.gather [hbm4b:s8+s4], $0x400, $0x38;
	[tilespmem:$0x1FCD0] =	vst v63  }
0x27: {  	_ =	swait.ge [sflag:s18], $0x400  }
0x28: {  	[sflag:s18] =	ssyncset.done $0x0  }
0x29: {  	s5 =	simm.s32 $0x1400;
	s20 =	rddreg [dreg:$0x8];
	[sflag:s18] =	ssyncadd.s32 $0xFFFFFC00  }
0x2a: {  	[tilespmem:s5], [sflag:$0x4] =	stream.linear.gather [hbm4b:s20+s4], $0x80, $0x38;
	[tilespmem:$0x1FCD0] =	vst v63  }
0x2b: {  	_ =	swait.ge [sflag:s18], $0x80  }
0x2c: {  	s7 =	simm.s32 @!p0 $0x1C01;
	s0 =	simm.s32 @!p0 $0x1;
	[sflag:s18] =	ssyncset.done $0x0  }
0x2d: {  	s5 =	simm.s32 @!p0 $0x10;
	s20 =	simm.s32 @!p0 $0x80;
	[sflag:s18] =	ssyncadd.s32 $0xFFFFFF80  }
0x2e: {  	[spmem:s21@s5], [sflag:s7] =	dma.strided @!p0 [hbm:s6@s20], $0x1E850, s0, $0x10   }
0x2f: {  	[spmem:s22@s5], [sflag:s7] =	dma.strided @!p0 [hbm:s9@s20], $0x1E850, s0, $0x10   }
0x30: {  	_ =	swait.ge @!p0 [sflag:s0], $0x1E850  }
0x31: {  	[sflag:s0] =	ssyncset.done @!p0 $0x0  }
0x32: {  	[sflag:s0] =	ssyncadd.s32 @!p0 $0xFFFE17B0  }
0x33: {  	[bflag:$0x0] =	sbarrier.arrive $0xFFFF  }
0x34: {  	[tilespmem:s24], [sflag:$0x2] =	stream.indirect.gather [spmem:s2], $0x1, s4, s23, $0xb8;
	[tilespmem:$0x1FCD0] =	vst v63  }
0x35: {  	_ = 	snop  }
0x36: {  	[tilespmem:s25], [sflag:$0x2] =	stream.indirect.gather [spmem:s2], $0x1, s19, s23, $0xb8;
	[tilespmem:$0x1FCD0] =	vst v63  }
0x37: {  	_ = 	snop  }
0x38: {  	[tilespmem:s26], [sflag:$0x2] =	stream.indirect.gather [spmem:s2], $0x1, s23, s23, $0xb8;
	[tilespmem:$0x1FCD0] =	vst v63  }
0x39: {  	_ = 	snop  }
0x3a: {  	[tilespmem:s29], [sflag:$0x2] =	stream.indirect.gather [spmem:s2], $0x1, s28, s23, $0xb8;
	[tilespmem:$0x1FCD0] =	vst v63  }
0x3b: {  	_ =	swait.ge [sflag:s30], $0x200  }
0x3c: {  	[sflag:s30] =	ssyncset.done $0x0  }
0x3d: {  	[sflag:s30] =	ssyncadd.s32 $0xFFFFFE00  }
0x3e: {  	_ =	swait.ge [sflag:s30], $0x200  }
0x3f: {  	[sflag:s30] =	ssyncset.done $0x0  }
0x40: {  	s0 =	simm.s32 $0x0;
	[sflag:s30] =	ssyncadd.s32 $0xFFFFFE00  }
0x41: {  	v0 =	vld [tilespmem:s0+$0x800]  }
0x42: {  	s5 =	simm.s32 $0x40;
	v1 =	vld [tilespmem:s0+$0xC00]  }
.LBB2_2:
0x43: {  	_ = 	snop  }
0x44: {  	p2 =	sne.s32 s5, $0x7C0  }
.Ltmp2:
0x45: {  	_ = 	snop;
	(pc) =	sbr.rel @p2 .LBB2_2-.Ltmp2, $4  }
0x46: {  	_ = 	snop  }
0x47: {  	s7 =	sshra.s32 s5, $0x2;
	v2 =	vmul.f32 v1, v0  }
0x48: {  	v0 =	vld [tilespmem:s7+$0x800]  }
0x49: {  	s5 =	sadd.s32 $0x40, s5;
	v1 =	vld [tilespmem:s7+$0xC00];
	[tilespmem:s0+$0x1000] =	vst v2;
	s0 =	smov.u32 s7  }
0x4a: {  	_ =	sdelay $0x3  }
0x4b: {  	v0 =	vmul.f32 v1, v0;
	_ =	sdelay $0x1  }
0x4c: {  	[tilespmem:s0+$0x1000] =	vst v0  }
0x4d: {  	_ =	swait.ge [sflag:s30], $0x200  }
0x4e: {  	[sflag:s30] =	ssyncset.done $0x0  }
0x4f: {  	[sflag:s30] =	ssyncadd.s32 $0xFFFFFE00  }
0x50: {  	_ =	swait.ge [sflag:s30], $0x200  }
0x51: {  	[sflag:s30] =	ssyncset.done $0x0  }
0x52: {  	s5 =	simm.s32 @!p0 $0x10;
	s7 =	simm.s32 @!p0 $0x80;
	[sflag:s30] =	ssyncadd.s32 $0xFFFFFE00  }
0x53: {  	s20 =	simm.s32 @!p0 $0x1C01;
	s0 =	simm.s32 @!p0 $0x1;
	[bflag:$0x0] =	sbarrier.arrive $0xFFFF  }
0x54: {  	[spmem:s21@s5], [sflag:s20] =	dma.strided @!p0 [hbm:s10@s7], $0x1E850, s0, $0x10   }
0x55: {  	s0 =	simm.s32 $0x0  }
0x56: {  	v0 =	vld [tilespmem:s0+$0xA00]  }
0x57: {  	s5 =	simm.s32 $0x40;
	v1 =	vld [tilespmem:s0+$0xE00]  }
.LBB2_4:
0x58: {  	_ = 	snop  }
0x59: {  	p2 =	sne.s32 s5, $0x7C0  }
.Ltmp3:
0x5a: {  	_ = 	snop;
	(pc) =	sbr.rel @p2 .LBB2_4-.Ltmp3, $4  }
0x5b: {  	_ = 	snop  }
0x5c: {  	s7 =	sshra.s32 s5, $0x2;
	v2 =	vmul.f32 v1, v0  }
0x5d: {  	v0 =	vld [tilespmem:s7+$0xA00]  }
0x5e: {  	s5 =	sadd.s32 $0x40, s5;
	v1 =	vld [tilespmem:s7+$0xE00];
	[tilespmem:s0+$0x1200] =	vst v2;
	s0 =	smov.u32 s7  }
0x5f: {  	_ =	sdelay $0x3  }
0x60: {  	v0 =	vmul.f32 v1, v0;
	_ =	sdelay $0x1  }
0x61: {  	[tilespmem:s0+$0x1200] =	vst v0;
	s0 =	simm.s32 @!p0 $0x1  }
0x62: {  	_ =	swait.ge @!p0 [sflag:s0], $0x1E850  }
0x63: {  	[sflag:s0] =	ssyncset.done @!p0 $0x0  }
0x64: {  	[sflag:s0] =	ssyncadd.s32 @!p0 $0xFFFE17B0  }
0x65: {  	s20 =	simm.s32 $0x0;
	[bflag:$0x0] =	sbarrier.arrive $0xFFFF  }
0x66: {  	[tilespmem:s24], [sflag:$0x2] =	stream.indirect.gather [spmem:s3], $0x1, s20, s23, $0xb8;
	[tilespmem:$0x1FCD0] =	vst v63  }
0x67: {  	_ = 	snop  }
0x68: {  	[tilespmem:s25], [sflag:$0x2] =	stream.indirect.gather [spmem:s3], $0x1, s19, s23, $0xb8;
	[tilespmem:$0x1FCD0] =	vst v63  }
0x69: {  	_ = 	snop  }
0x6a: {  	[tilespmem:s26], [sflag:$0x2] =	stream.indirect.gather [spmem:s3], $0x1, s23, s23, $0xb8;
	[tilespmem:$0x1FCD0] =	vst v63  }
0x6b: {  	_ = 	snop  }
0x6c: {  	[tilespmem:s29], [sflag:$0x2] =	stream.indirect.gather [spmem:s3], $0x1, s28, s23, $0xb8;
	[tilespmem:$0x1FCD0] =	vst v63  }
0x6d: {  	_ =	swait.ge [sflag:s30], $0x200  }
0x6e: {  	[sflag:s30] =	ssyncset.done $0x0  }
0x6f: {  	[sflag:s30] =	ssyncadd.s32 $0xFFFFFE00  }
0x70: {  	_ =	swait.ge [sflag:s30], $0x200  }
0x71: {  	[sflag:s30] =	ssyncset.done $0x0  }
0x72: {  	s20 =	simm.s32 $0x0;
	[sflag:s30] =	ssyncadd.s32 $0xFFFFFE00  }
0x73: {  	v0 =	vld [tilespmem:s20+$0x800]  }
0x74: {  	v1 =	vld [tilespmem:s20+$0xC00];
	_ =	sdelay $0x1  }
0x75: {  	v2 =	vld [tilespmem:s20+$0x1000];
	_ =	sdelay $0x2  }
0x76: {  	v1 =	vmul.f32 v1, v0  }
0x77: {  	s0 =	simm.s32 $0x10  }
0x78: {  	s5 =	simm.s32 $0x80;
	v0 =	vld [tilespmem:s0+$0x800];
	v1 =	vadd.f32 v1, v2  }
.LBB2_6:
0x79: {  	p2 =	sne.s32 s5, $0x7C0;
	v2 =	vld [tilespmem:s0+$0xC00]  }
0x7a: {  	[tilespmem:s20+$0x1000] =	vst v1;
	s20 =	smov.u32 s0  }
0x7b: {  	v1 =	vld [tilespmem:s20+$0x1000]  }
.Ltmp4:
0x7c: {  	(pc) =	sbr.rel @p2 .LBB2_6-.Ltmp4, $4  }
0x7d: {  	_ = 	snop  }
0x7e: {  	v2 =	vmul.f32 v2, v0  }
0x7f: {  	s0 =	sshra.s32 s5, $0x2  }
0x80: {  	s5 =	sadd.s32 $0x40, s5;
	v0 =	vld [tilespmem:s0+$0x800];
	v1 =	vadd.f32 v2, v1  }
0x81: {  	v2 =	vld [tilespmem:s0+$0xC00]  }
0x82: {  	[tilespmem:s20+$0x1000] =	vst v1  }
0x83: {  	v1 =	vld [tilespmem:s0+$0x1000];
	_ =	sdelay $0x2  }
0x84: {  	v0 =	vmul.f32 v2, v0;
	_ =	sdelay $0x1  }
0x85: {  	v0 =	vadd.f32 v0, v1;
	_ =	sdelay $0x1  }
0x86: {  	[tilespmem:s0+$0x1000] =	vst v0  }
0x87: {  	_ =	swait.ge [sflag:s30], $0x200  }
0x88: {  	[sflag:s30] =	ssyncset.done $0x0  }
0x89: {  	[sflag:s30] =	ssyncadd.s32 $0xFFFFFE00  }
0x8a: {  	_ =	swait.ge [sflag:s30], $0x200  }
0x8b: {  	[sflag:s30] =	ssyncset.done $0x0  }
0x8c: {  	s5 =	simm.s32 @!p0 $0x10;
	s7 =	simm.s32 @!p0 $0x80;
	[sflag:s30] =	ssyncadd.s32 $0xFFFFFE00  }
0x8d: {  	s20 =	simm.s32 @!p0 $0x1C01;
	s0 =	simm.s32 @!p0 $0x1;
	[bflag:$0x0] =	sbarrier.arrive $0xFFFF  }
0x8e: {  	[spmem:s22@s5], [sflag:s20] =	dma.strided @!p0 [hbm:s11@s7], $0x1E850, s0, $0x10   }
0x8f: {  	s20 =	simm.s32 $0x0  }
0x90: {  	v0 =	vld [tilespmem:s20+$0xA00]  }
0x91: {  	v1 =	vld [tilespmem:s20+$0xE00];
	_ =	sdelay $0x1  }
0x92: {  	v2 =	vld [tilespmem:s20+$0x1200];
	_ =	sdelay $0x2  }
0x93: {  	v1 =	vmul.f32 v1, v0  }
0x94: {  	s0 =	simm.s32 $0x10  }
0x95: {  	s5 =	simm.s32 $0x80;
	v0 =	vld [tilespmem:s0+$0xA00];
	v1 =	vadd.f32 v1, v2  }
.LBB2_8:
0x96: {  	p2 =	sne.s32 s5, $0x7C0;
	v2 =	vld [tilespmem:s0+$0xE00]  }
0x97: {  	[tilespmem:s20+$0x1200] =	vst v1;
	s20 =	smov.u32 s0  }
0x98: {  	v1 =	vld [tilespmem:s20+$0x1200]  }
.Ltmp5:
0x99: {  	(pc) =	sbr.rel @p2 .LBB2_8-.Ltmp5, $4  }
0x9a: {  	_ = 	snop  }
0x9b: {  	v2 =	vmul.f32 v2, v0  }
0x9c: {  	s0 =	sshra.s32 s5, $0x2  }
0x9d: {  	s5 =	sadd.s32 $0x40, s5;
	v0 =	vld [tilespmem:s0+$0xA00];
	v1 =	vadd.f32 v2, v1  }
0x9e: {  	v2 =	vld [tilespmem:s0+$0xE00]  }
0x9f: {  	[tilespmem:s20+$0x1200] =	vst v1  }
0xa0: {  	v1 =	vld [tilespmem:s0+$0x1200];
	_ =	sdelay $0x2  }
0xa1: {  	v0 =	vmul.f32 v2, v0;
	_ =	sdelay $0x1  }
0xa2: {  	v0 =	vadd.f32 v0, v1;
	_ =	sdelay $0x1  }
0xa3: {  	[tilespmem:s0+$0x1200] =	vst v0;
	s0 =	simm.s32 @!p0 $0x1  }
0xa4: {  	_ =	swait.ge @!p0 [sflag:s0], $0x1E850  }
0xa5: {  	[sflag:s0] =	ssyncset.done @!p0 $0x0  }
0xa6: {  	[sflag:s0] =	ssyncadd.s32 @!p0 $0xFFFE17B0  }
0xa7: {  	s20 =	simm.s32 $0x0;
	[bflag:$0x0] =	sbarrier.arrive $0xFFFF  }
0xa8: {  	[tilespmem:s24], [sflag:$0x2] =	stream.indirect.gather [spmem:s2], $0x1, s20, s23, $0xb8;
	[tilespmem:$0x1FCD0] =	vst v63  }
0xa9: {  	_ = 	snop  }
0xaa: {  	[tilespmem:s25], [sflag:$0x2] =	stream.indirect.gather [spmem:s2], $0x1, s19, s23, $0xb8;
	[tilespmem:$0x1FCD0] =	vst v63  }
0xab: {  	_ = 	snop  }
0xac: {  	[tilespmem:s26], [sflag:$0x2] =	stream.indirect.gather [spmem:s2], $0x1, s23, s23, $0xb8;
	[tilespmem:$0x1FCD0] =	vst v63  }
0xad: {  	_ = 	snop  }
0xae: {  	[tilespmem:s29], [sflag:$0x2] =	stream.indirect.gather [spmem:s2], $0x1, s28, s23, $0xb8;
	[tilespmem:$0x1FCD0] =	vst v63  }
0xaf: {  	_ =	swait.ge [sflag:s30], $0x200  }
0xb0: {  	[sflag:s30] =	ssyncset.done $0x0  }
0xb1: {  	[sflag:s30] =	ssyncadd.s32 $0xFFFFFE00  }
0xb2: {  	_ =	swait.ge [sflag:s30], $0x200  }
0xb3: {  	[sflag:s30] =	ssyncset.done $0x0  }
0xb4: {  	s20 =	simm.s32 $0x0;
	[sflag:s30] =	ssyncadd.s32 $0xFFFFFE00  }
0xb5: {  	v0 =	vld [tilespmem:s20+$0x800]  }
0xb6: {  	v1 =	vld [tilespmem:s20+$0xC00];
	_ =	sdelay $0x1  }
0xb7: {  	v2 =	vld [tilespmem:s20+$0x1000];
	_ =	sdelay $0x2  }
0xb8: {  	v1 =	vmul.f32 v1, v0  }
0xb9: {  	s0 =	simm.s32 $0x10  }
0xba: {  	s5 =	simm.s32 $0x80;
	v0 =	vld [tilespmem:s0+$0x800];
	v1 =	vadd.f32 v1, v2  }
.LBB2_10:
0xbb: {  	p2 =	sne.s32 s5, $0x7C0;
	v2 =	vld [tilespmem:s0+$0xC00]  }
0xbc: {  	[tilespmem:s20+$0x1000] =	vst v1;
	s20 =	smov.u32 s0  }
0xbd: {  	v1 =	vld [tilespmem:s20+$0x1000]  }
.Ltmp6:
0xbe: {  	(pc) =	sbr.rel @p2 .LBB2_10-.Ltmp6, $4  }
0xbf: {  	_ = 	snop  }
0xc0: {  	v2 =	vmul.f32 v2, v0  }
0xc1: {  	s0 =	sshra.s32 s5, $0x2  }
0xc2: {  	s5 =	sadd.s32 $0x40, s5;
	v0 =	vld [tilespmem:s0+$0x800];
	v1 =	vadd.f32 v2, v1  }
0xc3: {  	v2 =	vld [tilespmem:s0+$0xC00]  }
0xc4: {  	[tilespmem:s20+$0x1000] =	vst v1  }
0xc5: {  	v1 =	vld [tilespmem:s0+$0x1000];
	_ =	sdelay $0x2  }
0xc6: {  	v0 =	vmul.f32 v2, v0;
	_ =	sdelay $0x1  }
0xc7: {  	v0 =	vadd.f32 v0, v1;
	_ =	sdelay $0x1  }
0xc8: {  	[tilespmem:s0+$0x1000] =	vst v0  }
0xc9: {  	_ =	swait.ge [sflag:s30], $0x200  }
0xca: {  	[sflag:s30] =	ssyncset.done $0x0  }
0xcb: {  	[sflag:s30] =	ssyncadd.s32 $0xFFFFFE00  }
0xcc: {  	_ =	swait.ge [sflag:s30], $0x200  }
0xcd: {  	[sflag:s30] =	ssyncset.done $0x0  }
0xce: {  	s5 =	simm.s32 @!p0 $0x10;
	s7 =	simm.s32 @!p0 $0x80;
	[sflag:s30] =	ssyncadd.s32 $0xFFFFFE00  }
0xcf: {  	s20 =	simm.s32 @!p0 $0x1C01;
	s0 =	simm.s32 @!p0 $0x1;
	[bflag:$0x0] =	sbarrier.arrive $0xFFFF  }
0xd0: {  	[spmem:s21@s5], [sflag:s20] =	dma.strided @!p0 [hbm:s12@s7], $0x1E850, s0, $0x10   }
0xd1: {  	s20 =	simm.s32 $0x0  }
0xd2: {  	v0 =	vld [tilespmem:s20+$0xA00]  }
0xd3: {  	v1 =	vld [tilespmem:s20+$0xE00];
	_ =	sdelay $0x1  }
0xd4: {  	v2 =	vld [tilespmem:s20+$0x1200];
	_ =	sdelay $0x2  }
0xd5: {  	v1 =	vmul.f32 v1, v0  }
0xd6: {  	s0 =	simm.s32 $0x10  }
0xd7: {  	s5 =	simm.s32 $0x80;
	v0 =	vld [tilespmem:s0+$0xA00];
	v1 =	vadd.f32 v1, v2  }
.LBB2_12:
0xd8: {  	p2 =	sne.s32 s5, $0x7C0;
	v2 =	vld [tilespmem:s0+$0xE00]  }
0xd9: {  	[tilespmem:s20+$0x1200] =	vst v1;
	s20 =	smov.u32 s0  }
0xda: {  	v1 =	vld [tilespmem:s20+$0x1200]  }
.Ltmp7:
0xdb: {  	(pc) =	sbr.rel @p2 .LBB2_12-.Ltmp7, $4  }
0xdc: {  	_ = 	snop  }
0xdd: {  	v2 =	vmul.f32 v2, v0  }
0xde: {  	s0 =	sshra.s32 s5, $0x2  }
0xdf: {  	s5 =	sadd.s32 $0x40, s5;
	v0 =	vld [tilespmem:s0+$0xA00];
	v1 =	vadd.f32 v2, v1  }
0xe0: {  	v2 =	vld [tilespmem:s0+$0xE00]  }
0xe1: {  	[tilespmem:s20+$0x1200] =	vst v1  }
0xe2: {  	v1 =	vld [tilespmem:s0+$0x1200];
	_ =	sdelay $0x2  }
0xe3: {  	v0 =	vmul.f32 v2, v0;
	_ =	sdelay $0x1  }
0xe4: {  	v0 =	vadd.f32 v0, v1;
	_ =	sdelay $0x1  }
0xe5: {  	[tilespmem:s0+$0x1200] =	vst v0;
	s0 =	simm.s32 @!p0 $0x1  }
0xe6: {  	_ =	swait.ge @!p0 [sflag:s0], $0x1E850  }
0xe7: {  	[sflag:s0] =	ssyncset.done @!p0 $0x0  }
0xe8: {  	[sflag:s0] =	ssyncadd.s32 @!p0 $0xFFFE17B0  }
0xe9: {  	s20 =	simm.s32 $0x0;
	[bflag:$0x0] =	sbarrier.arrive $0xFFFF  }
0xea: {  	[tilespmem:s24], [sflag:$0x2] =	stream.indirect.gather [spmem:s3], $0x1, s20, s23, $0xb8;
	[tilespmem:$0x1FCD0] =	vst v63  }
0xeb: {  	_ = 	snop  }
0xec: {  	[tilespmem:s25], [sflag:$0x2] =	stream.indirect.gather [spmem:s3], $0x1, s19, s23, $0xb8;
	[tilespmem:$0x1FCD0] =	vst v63  }
0xed: {  	_ = 	snop  }
0xee: {  	[tilespmem:s26], [sflag:$0x2] =	stream.indirect.gather [spmem:s3], $0x1, s23, s23, $0xb8;
	[tilespmem:$0x1FCD0] =	vst v63  }
0xef: {  	_ = 	snop  }
0xf0: {  	[tilespmem:s29], [sflag:$0x2] =	stream.indirect.gather [spmem:s3], $0x1, s28, s23, $0xb8;
	[tilespmem:$0x1FCD0] =	vst v63  }
0xf1: {  	_ =	swait.ge [sflag:s30], $0x200  }
0xf2: {  	[sflag:s30] =	ssyncset.done $0x0  }
0xf3: {  	[sflag:s30] =	ssyncadd.s32 $0xFFFFFE00  }
0xf4: {  	_ =	swait.ge [sflag:s30], $0x200  }
0xf5: {  	[sflag:s30] =	ssyncset.done $0x0  }
0xf6: {  	s20 =	simm.s32 $0x0;
	[sflag:s30] =	ssyncadd.s32 $0xFFFFFE00  }
0xf7: {  	v0 =	vld [tilespmem:s20+$0x800]  }
0xf8: {  	v1 =	vld [tilespmem:s20+$0xC00];
	_ =	sdelay $0x1  }
0xf9: {  	v2 =	vld [tilespmem:s20+$0x1000];
	_ =	sdelay $0x2  }
0xfa: {  	v1 =	vmul.f32 v1, v0  }
0xfb: {  	s0 =	simm.s32 $0x10  }
0xfc: {  	s5 =	simm.s32 $0x80;
	v0 =	vld [tilespmem:s0+$0x800];
	v1 =	vadd.f32 v1, v2  }
.LBB2_14:
0xfd: {  	p2 =	sne.s32 s5, $0x7C0;
	v2 =	vld [tilespmem:s0+$0xC00]  }
0xfe: {  	[tilespmem:s20+$0x1000] =	vst v1;
	s20 =	smov.u32 s0  }
0xff: {  	v1 =	vld [tilespmem:s20+$0x1000]  }
.Ltmp8:
0x100: {  	(pc) =	sbr.rel @p2 .LBB2_14-.Ltmp8, $4  }
0x101: {  	_ = 	snop  }
0x102: {  	v2 =	vmul.f32 v2, v0  }
0x103: {  	s0 =	sshra.s32 s5, $0x2  }
0x104: {  	s5 =	sadd.s32 $0x40, s5;
	v0 =	vld [tilespmem:s0+$0x800];
	v1 =	vadd.f32 v2, v1  }
0x105: {  	v2 =	vld [tilespmem:s0+$0xC00]  }
0x106: {  	[tilespmem:s20+$0x1000] =	vst v1  }
0x107: {  	v1 =	vld [tilespmem:s0+$0x1000];
	_ =	sdelay $0x2  }
0x108: {  	v0 =	vmul.f32 v2, v0;
	_ =	sdelay $0x1  }
0x109: {  	v0 =	vadd.f32 v0, v1;
	_ =	sdelay $0x1  }
0x10a: {  	[tilespmem:s0+$0x1000] =	vst v0  }
0x10b: {  	_ =	swait.ge [sflag:s30], $0x200  }
0x10c: {  	[sflag:s30] =	ssyncset.done $0x0  }
0x10d: {  	[sflag:s30] =	ssyncadd.s32 $0xFFFFFE00  }
0x10e: {  	_ =	swait.ge [sflag:s30], $0x200  }
0x10f: {  	[sflag:s30] =	ssyncset.done $0x0  }
0x110: {  	s5 =	simm.s32 @!p0 $0x10;
	s7 =	simm.s32 @!p0 $0x80;
	[sflag:s30] =	ssyncadd.s32 $0xFFFFFE00  }
0x111: {  	s20 =	simm.s32 @!p0 $0x1C01;
	s0 =	simm.s32 @!p0 $0x1;
	[bflag:$0x0] =	sbarrier.arrive $0xFFFF  }
0x112: {  	[spmem:s22@s5], [sflag:s20] =	dma.strided @!p0 [hbm:s13@s7], $0x1E850, s0, $0x10   }
0x113: {  	s20 =	simm.s32 $0x0  }
0x114: {  	v0 =	vld [tilespmem:s20+$0xA00]  }
0x115: {  	v1 =	vld [tilespmem:s20+$0xE00];
	_ =	sdelay $0x1  }
0x116: {  	v2 =	vld [tilespmem:s20+$0x1200];
	_ =	sdelay $0x2  }
0x117: {  	v1 =	vmul.f32 v1, v0  }
0x118: {  	s0 =	simm.s32 $0x10  }
0x119: {  	s5 =	simm.s32 $0x80;
	v0 =	vld [tilespmem:s0+$0xA00];
	v1 =	vadd.f32 v1, v2  }
.LBB2_16:
0x11a: {  	p2 =	sne.s32 s5, $0x7C0;
	v2 =	vld [tilespmem:s0+$0xE00]  }
0x11b: {  	[tilespmem:s20+$0x1200] =	vst v1;
	s20 =	smov.u32 s0  }
0x11c: {  	v1 =	vld [tilespmem:s20+$0x1200]  }
.Ltmp9:
0x11d: {  	(pc) =	sbr.rel @p2 .LBB2_16-.Ltmp9, $4  }
0x11e: {  	_ = 	snop  }
0x11f: {  	v2 =	vmul.f32 v2, v0  }
0x120: {  	s0 =	sshra.s32 s5, $0x2  }
0x121: {  	s5 =	sadd.s32 $0x40, s5;
	v0 =	vld [tilespmem:s0+$0xA00];
	v1 =	vadd.f32 v2, v1  }
0x122: {  	v2 =	vld [tilespmem:s0+$0xE00]  }
0x123: {  	[tilespmem:s20+$0x1200] =	vst v1  }
0x124: {  	v1 =	vld [tilespmem:s0+$0x1200];
	_ =	sdelay $0x2  }
0x125: {  	v0 =	vmul.f32 v2, v0;
	_ =	sdelay $0x1  }
0x126: {  	v0 =	vadd.f32 v0, v1;
	_ =	sdelay $0x1  }
0x127: {  	[tilespmem:s0+$0x1200] =	vst v0;
	s0 =	simm.s32 @!p0 $0x1  }
0x128: {  	_ =	swait.ge @!p0 [sflag:s0], $0x1E850  }
0x129: {  	[sflag:s0] =	ssyncset.done @!p0 $0x0  }
0x12a: {  	[sflag:s0] =	ssyncadd.s32 @!p0 $0xFFFE17B0  }
0x12b: {  	s20 =	simm.s32 $0x0;
	[bflag:$0x0] =	sbarrier.arrive $0xFFFF  }
0x12c: {  	[tilespmem:s24], [sflag:$0x2] =	stream.indirect.gather [spmem:s2], $0x1, s20, s23, $0xb8;
	[tilespmem:$0x1FCD0] =	vst v63  }
0x12d: {  	_ = 	snop  }
0x12e: {  	[tilespmem:s25], [sflag:$0x2] =	stream.indirect.gather [spmem:s2], $0x1, s19, s23, $0xb8;
	[tilespmem:$0x1FCD0] =	vst v63  }
0x12f: {  	_ = 	snop  }
0x130: {  	[tilespmem:s26], [sflag:$0x2] =	stream.indirect.gather [spmem:s2], $0x1, s23, s23, $0xb8;
	[tilespmem:$0x1FCD0] =	vst v63  }
0x131: {  	_ = 	snop  }
0x132: {  	[tilespmem:s29], [sflag:$0x2] =	stream.indirect.gather [spmem:s2], $0x1, s28, s23, $0xb8;
	[tilespmem:$0x1FCD0] =	vst v63  }
0x133: {  	_ =	swait.ge [sflag:s30], $0x200  }
0x134: {  	[sflag:s30] =	ssyncset.done $0x0  }
0x135: {  	[sflag:s30] =	ssyncadd.s32 $0xFFFFFE00  }
0x136: {  	_ =	swait.ge [sflag:s30], $0x200  }
0x137: {  	[sflag:s30] =	ssyncset.done $0x0  }
0x138: {  	s20 =	simm.s32 $0x0;
	[sflag:s30] =	ssyncadd.s32 $0xFFFFFE00  }
0x139: {  	v0 =	vld [tilespmem:s20+$0x800]  }
0x13a: {  	v1 =	vld [tilespmem:s20+$0xC00];
	_ =	sdelay $0x1  }
0x13b: {  	v2 =	vld [tilespmem:s20+$0x1000];
	_ =	sdelay $0x2  }
0x13c: {  	v1 =	vmul.f32 v1, v0  }
0x13d: {  	s0 =	simm.s32 $0x10  }
0x13e: {  	s5 =	simm.s32 $0x80;
	v0 =	vld [tilespmem:s0+$0x800];
	v1 =	vadd.f32 v1, v2  }
.LBB2_18:
0x13f: {  	p2 =	sne.s32 s5, $0x7C0;
	v2 =	vld [tilespmem:s0+$0xC00]  }
0x140: {  	[tilespmem:s20+$0x1000] =	vst v1;
	s20 =	smov.u32 s0  }
0x141: {  	v1 =	vld [tilespmem:s20+$0x1000]  }
.Ltmp10:
0x142: {  	(pc) =	sbr.rel @p2 .LBB2_18-.Ltmp10, $4  }
0x143: {  	_ = 	snop  }
0x144: {  	v2 =	vmul.f32 v2, v0  }
0x145: {  	s0 =	sshra.s32 s5, $0x2  }
0x146: {  	s5 =	sadd.s32 $0x40, s5;
	v0 =	vld [tilespmem:s0+$0x800];
	v1 =	vadd.f32 v2, v1  }
0x147: {  	v2 =	vld [tilespmem:s0+$0xC00]  }
0x148: {  	[tilespmem:s20+$0x1000] =	vst v1  }
0x149: {  	v1 =	vld [tilespmem:s0+$0x1000];
	_ =	sdelay $0x2  }
0x14a: {  	v0 =	vmul.f32 v2, v0;
	_ =	sdelay $0x1  }
0x14b: {  	v0 =	vadd.f32 v0, v1;
	_ =	sdelay $0x1  }
0x14c: {  	[tilespmem:s0+$0x1000] =	vst v0  }
0x14d: {  	_ =	swait.ge [sflag:s30], $0x200  }
0x14e: {  	[sflag:s30] =	ssyncset.done $0x0  }
0x14f: {  	[sflag:s30] =	ssyncadd.s32 $0xFFFFFE00  }
0x150: {  	_ =	swait.ge [sflag:s30], $0x200  }
0x151: {  	[sflag:s30] =	ssyncset.done $0x0  }
0x152: {  	s5 =	simm.s32 @!p0 $0x10;
	s7 =	simm.s32 @!p0 $0x80;
	[sflag:s30] =	ssyncadd.s32 $0xFFFFFE00  }
0x153: {  	s20 =	simm.s32 @!p0 $0x1C01;
	s0 =	simm.s32 @!p0 $0x1;
	[bflag:$0x0] =	sbarrier.arrive $0xFFFF  }
0x154: {  	[spmem:s21@s5], [sflag:s20] =	dma.strided @!p0 [hbm:s14@s7], $0x1E850, s0, $0x10   }
0x155: {  	s20 =	simm.s32 $0x0  }
0x156: {  	v0 =	vld [tilespmem:s20+$0xA00]  }
0x157: {  	v1 =	vld [tilespmem:s20+$0xE00];
	_ =	sdelay $0x1  }
0x158: {  	v2 =	vld [tilespmem:s20+$0x1200];
	_ =	sdelay $0x2  }
0x159: {  	v1 =	vmul.f32 v1, v0  }
0x15a: {  	s0 =	simm.s32 $0x10  }
0x15b: {  	s5 =	simm.s32 $0x80;
	v0 =	vld [tilespmem:s0+$0xA00];
	v1 =	vadd.f32 v1, v2  }
.LBB2_20:
0x15c: {  	p2 =	sne.s32 s5, $0x7C0;
	v2 =	vld [tilespmem:s0+$0xE00]  }
0x15d: {  	[tilespmem:s20+$0x1200] =	vst v1;
	s20 =	smov.u32 s0  }
0x15e: {  	v1 =	vld [tilespmem:s20+$0x1200]  }
.Ltmp11:
0x15f: {  	(pc) =	sbr.rel @p2 .LBB2_20-.Ltmp11, $4  }
0x160: {  	_ = 	snop  }
0x161: {  	v2 =	vmul.f32 v2, v0  }
0x162: {  	s0 =	sshra.s32 s5, $0x2  }
0x163: {  	s5 =	sadd.s32 $0x40, s5;
	v0 =	vld [tilespmem:s0+$0xA00];
	v1 =	vadd.f32 v2, v1  }
0x164: {  	v2 =	vld [tilespmem:s0+$0xE00]  }
0x165: {  	[tilespmem:s20+$0x1200] =	vst v1  }
0x166: {  	v1 =	vld [tilespmem:s0+$0x1200];
	_ =	sdelay $0x2  }
0x167: {  	v0 =	vmul.f32 v2, v0;
	_ =	sdelay $0x1  }
0x168: {  	v0 =	vadd.f32 v0, v1;
	_ =	sdelay $0x1  }
0x169: {  	[tilespmem:s0+$0x1200] =	vst v0;
	s0 =	simm.s32 @!p0 $0x1  }
0x16a: {  	_ =	swait.ge @!p0 [sflag:s0], $0x1E850  }
0x16b: {  	[sflag:s0] =	ssyncset.done @!p0 $0x0  }
0x16c: {  	[sflag:s0] =	ssyncadd.s32 @!p0 $0xFFFE17B0  }
0x16d: {  	s20 =	simm.s32 $0x0;
	[bflag:$0x0] =	sbarrier.arrive $0xFFFF  }
0x16e: {  	[tilespmem:s24], [sflag:$0x2] =	stream.indirect.gather [spmem:s3], $0x1, s20, s23, $0xb8;
	[tilespmem:$0x1FCD0] =	vst v63  }
0x16f: {  	_ = 	snop  }
0x170: {  	[tilespmem:s25], [sflag:$0x2] =	stream.indirect.gather [spmem:s3], $0x1, s19, s23, $0xb8;
	[tilespmem:$0x1FCD0] =	vst v63  }
0x171: {  	_ = 	snop  }
0x172: {  	[tilespmem:s26], [sflag:$0x2] =	stream.indirect.gather [spmem:s3], $0x1, s23, s23, $0xb8;
	[tilespmem:$0x1FCD0] =	vst v63  }
0x173: {  	_ = 	snop  }
0x174: {  	[tilespmem:s29], [sflag:$0x2] =	stream.indirect.gather [spmem:s3], $0x1, s28, s23, $0xb8;
	[tilespmem:$0x1FCD0] =	vst v63  }
0x175: {  	_ =	swait.ge [sflag:s30], $0x200  }
0x176: {  	[sflag:s30] =	ssyncset.done $0x0  }
0x177: {  	[sflag:s30] =	ssyncadd.s32 $0xFFFFFE00  }
0x178: {  	_ =	swait.ge [sflag:s30], $0x200  }
0x179: {  	[sflag:s30] =	ssyncset.done $0x0  }
0x17a: {  	s20 =	simm.s32 $0x0;
	[sflag:s30] =	ssyncadd.s32 $0xFFFFFE00  }
0x17b: {  	v0 =	vld [tilespmem:s20+$0x800]  }
0x17c: {  	v1 =	vld [tilespmem:s20+$0xC00];
	_ =	sdelay $0x1  }
0x17d: {  	v2 =	vld [tilespmem:s20+$0x1000];
	_ =	sdelay $0x2  }
0x17e: {  	v1 =	vmul.f32 v1, v0  }
0x17f: {  	s0 =	simm.s32 $0x10  }
0x180: {  	s5 =	simm.s32 $0x80;
	v0 =	vld [tilespmem:s0+$0x800];
	v1 =	vadd.f32 v1, v2  }
.LBB2_22:
0x181: {  	p2 =	sne.s32 s5, $0x7C0;
	v2 =	vld [tilespmem:s0+$0xC00]  }
0x182: {  	[tilespmem:s20+$0x1000] =	vst v1;
	s20 =	smov.u32 s0  }
0x183: {  	v1 =	vld [tilespmem:s20+$0x1000]  }
.Ltmp12:
0x184: {  	(pc) =	sbr.rel @p2 .LBB2_22-.Ltmp12, $4  }
0x185: {  	_ = 	snop  }
0x186: {  	v2 =	vmul.f32 v2, v0  }
0x187: {  	s0 =	sshra.s32 s5, $0x2  }
0x188: {  	s5 =	sadd.s32 $0x40, s5;
	v0 =	vld [tilespmem:s0+$0x800];
	v1 =	vadd.f32 v2, v1  }
0x189: {  	v2 =	vld [tilespmem:s0+$0xC00]  }
0x18a: {  	[tilespmem:s20+$0x1000] =	vst v1  }
0x18b: {  	v1 =	vld [tilespmem:s0+$0x1000];
	_ =	sdelay $0x2  }
0x18c: {  	v0 =	vmul.f32 v2, v0;
	_ =	sdelay $0x1  }
0x18d: {  	v0 =	vadd.f32 v0, v1;
	_ =	sdelay $0x1  }
0x18e: {  	[tilespmem:s0+$0x1000] =	vst v0  }
0x18f: {  	_ =	swait.ge [sflag:s30], $0x200  }
0x190: {  	[sflag:s30] =	ssyncset.done $0x0  }
0x191: {  	[sflag:s30] =	ssyncadd.s32 $0xFFFFFE00  }
0x192: {  	_ =	swait.ge [sflag:s30], $0x200  }
0x193: {  	[sflag:s30] =	ssyncset.done $0x0  }
0x194: {  	s5 =	simm.s32 @!p0 $0x10;
	s7 =	simm.s32 @!p0 $0x80;
	[sflag:s30] =	ssyncadd.s32 $0xFFFFFE00  }
0x195: {  	s20 =	simm.s32 @!p0 $0x1C01;
	s0 =	simm.s32 @!p0 $0x1;
	[bflag:$0x0] =	sbarrier.arrive $0xFFFF  }
0x196: {  	[spmem:s22@s5], [sflag:s20] =	dma.strided @!p0 [hbm:s15@s7], $0x1E850, s0, $0x10   }
0x197: {  	s20 =	simm.s32 $0x0  }
0x198: {  	v0 =	vld [tilespmem:s20+$0xA00]  }
0x199: {  	v1 =	vld [tilespmem:s20+$0xE00];
	_ =	sdelay $0x1  }
0x19a: {  	v2 =	vld [tilespmem:s20+$0x1200];
	_ =	sdelay $0x2  }
0x19b: {  	v1 =	vmul.f32 v1, v0  }
0x19c: {  	s0 =	simm.s32 $0x10  }
0x19d: {  	s5 =	simm.s32 $0x80;
	v0 =	vld [tilespmem:s0+$0xA00];
	v1 =	vadd.f32 v1, v2  }
.LBB2_24:
0x19e: {  	p2 =	sne.s32 s5, $0x7C0;
	v2 =	vld [tilespmem:s0+$0xE00]  }
0x19f: {  	[tilespmem:s20+$0x1200] =	vst v1;
	s20 =	smov.u32 s0  }
0x1a0: {  	v1 =	vld [tilespmem:s20+$0x1200]  }
.Ltmp13:
0x1a1: {  	(pc) =	sbr.rel @p2 .LBB2_24-.Ltmp13, $4  }
0x1a2: {  	_ = 	snop  }
0x1a3: {  	v2 =	vmul.f32 v2, v0  }
0x1a4: {  	s0 =	sshra.s32 s5, $0x2  }
0x1a5: {  	s5 =	sadd.s32 $0x40, s5;
	v0 =	vld [tilespmem:s0+$0xA00];
	v1 =	vadd.f32 v2, v1  }
0x1a6: {  	v2 =	vld [tilespmem:s0+$0xE00]  }
0x1a7: {  	[tilespmem:s20+$0x1200] =	vst v1  }
0x1a8: {  	v1 =	vld [tilespmem:s0+$0x1200];
	_ =	sdelay $0x2  }
0x1a9: {  	v0 =	vmul.f32 v2, v0;
	_ =	sdelay $0x1  }
0x1aa: {  	v0 =	vadd.f32 v0, v1;
	_ =	sdelay $0x1  }
0x1ab: {  	[tilespmem:s0+$0x1200] =	vst v0;
	s0 =	simm.s32 @!p0 $0x1  }
0x1ac: {  	_ =	swait.ge @!p0 [sflag:s0], $0x1E850  }
0x1ad: {  	[sflag:s0] =	ssyncset.done @!p0 $0x0  }
0x1ae: {  	[sflag:s0] =	ssyncadd.s32 @!p0 $0xFFFE17B0  }
0x1af: {  	s20 =	simm.s32 $0x0;
	[bflag:$0x0] =	sbarrier.arrive $0xFFFF  }
0x1b0: {  	[tilespmem:s24], [sflag:$0x2] =	stream.indirect.gather [spmem:s2], $0x1, s20, s23, $0xb8;
	[tilespmem:$0x1FCD0] =	vst v63  }
0x1b1: {  	_ = 	snop  }
0x1b2: {  	[tilespmem:s25], [sflag:$0x2] =	stream.indirect.gather [spmem:s2], $0x1, s19, s23, $0xb8;
	[tilespmem:$0x1FCD0] =	vst v63  }
0x1b3: {  	_ = 	snop  }
0x1b4: {  	[tilespmem:s26], [sflag:$0x2] =	stream.indirect.gather [spmem:s2], $0x1, s23, s23, $0xb8;
	[tilespmem:$0x1FCD0] =	vst v63  }
0x1b5: {  	_ = 	snop  }
0x1b6: {  	[tilespmem:s29], [sflag:$0x2] =	stream.indirect.gather [spmem:s2], $0x1, s28, s23, $0xb8;
	[tilespmem:$0x1FCD0] =	vst v63  }
0x1b7: {  	_ =	swait.ge [sflag:s30], $0x200  }
0x1b8: {  	[sflag:s30] =	ssyncset.done $0x0  }
0x1b9: {  	[sflag:s30] =	ssyncadd.s32 $0xFFFFFE00  }
0x1ba: {  	_ =	swait.ge [sflag:s30], $0x200  }
0x1bb: {  	[sflag:s30] =	ssyncset.done $0x0  }
0x1bc: {  	s20 =	simm.s32 $0x0;
	[sflag:s30] =	ssyncadd.s32 $0xFFFFFE00  }
0x1bd: {  	v0 =	vld [tilespmem:s20+$0x800]  }
0x1be: {  	v1 =	vld [tilespmem:s20+$0xC00];
	_ =	sdelay $0x1  }
0x1bf: {  	v2 =	vld [tilespmem:s20+$0x1000];
	_ =	sdelay $0x2  }
0x1c0: {  	v1 =	vmul.f32 v1, v0  }
0x1c1: {  	s0 =	simm.s32 $0x10  }
0x1c2: {  	s5 =	simm.s32 $0x80;
	v0 =	vld [tilespmem:s0+$0x800];
	v1 =	vadd.f32 v1, v2  }
.LBB2_26:
0x1c3: {  	p2 =	sne.s32 s5, $0x7C0;
	v2 =	vld [tilespmem:s0+$0xC00]  }
0x1c4: {  	[tilespmem:s20+$0x1000] =	vst v1;
	s20 =	smov.u32 s0  }
0x1c5: {  	v1 =	vld [tilespmem:s20+$0x1000]  }
.Ltmp14:
0x1c6: {  	(pc) =	sbr.rel @p2 .LBB2_26-.Ltmp14, $4  }
0x1c7: {  	_ = 	snop  }
0x1c8: {  	v2 =	vmul.f32 v2, v0  }
0x1c9: {  	s0 =	sshra.s32 s5, $0x2  }
0x1ca: {  	s5 =	sadd.s32 $0x40, s5;
	v0 =	vld [tilespmem:s0+$0x800];
	v1 =	vadd.f32 v2, v1  }
0x1cb: {  	v2 =	vld [tilespmem:s0+$0xC00]  }
0x1cc: {  	[tilespmem:s20+$0x1000] =	vst v1  }
0x1cd: {  	v1 =	vld [tilespmem:s0+$0x1000];
	_ =	sdelay $0x2  }
0x1ce: {  	v0 =	vmul.f32 v2, v0;
	_ =	sdelay $0x1  }
0x1cf: {  	v0 =	vadd.f32 v0, v1;
	_ =	sdelay $0x1  }
0x1d0: {  	[tilespmem:s0+$0x1000] =	vst v0  }
0x1d1: {  	_ =	swait.ge [sflag:s30], $0x200  }
0x1d2: {  	[sflag:s30] =	ssyncset.done $0x0  }
0x1d3: {  	[sflag:s30] =	ssyncadd.s32 $0xFFFFFE00  }
0x1d4: {  	_ =	swait.ge [sflag:s30], $0x200  }
0x1d5: {  	[sflag:s30] =	ssyncset.done $0x0  }
0x1d6: {  	s20 =	simm.s32 $0x0;
	[sflag:s30] =	ssyncadd.s32 $0xFFFFFE00  }
0x1d7: {  	v0 =	vld [tilespmem:s20+$0xA00]  }
0x1d8: {  	v1 =	vld [tilespmem:s20+$0xE00];
	_ =	sdelay $0x1  }
0x1d9: {  	v2 =	vld [tilespmem:s20+$0x1200];
	_ =	sdelay $0x2  }
0x1da: {  	v1 =	vmul.f32 v1, v0  }
0x1db: {  	s0 =	simm.s32 $0x10  }
0x1dc: {  	s5 =	simm.s32 $0x80;
	v0 =	vld [tilespmem:s0+$0xA00];
	v1 =	vadd.f32 v1, v2  }
.LBB2_28:
0x1dd: {  	p2 =	sne.s32 s5, $0x7C0;
	v2 =	vld [tilespmem:s0+$0xE00]  }
0x1de: {  	[tilespmem:s20+$0x1200] =	vst v1;
	s20 =	smov.u32 s0  }
0x1df: {  	v1 =	vld [tilespmem:s20+$0x1200]  }
.Ltmp15:
0x1e0: {  	(pc) =	sbr.rel @p2 .LBB2_28-.Ltmp15, $4  }
0x1e1: {  	_ = 	snop  }
0x1e2: {  	v2 =	vmul.f32 v2, v0  }
0x1e3: {  	s0 =	sshra.s32 s5, $0x2  }
0x1e4: {  	s5 =	sadd.s32 $0x40, s5;
	v0 =	vld [tilespmem:s0+$0xA00];
	v1 =	vadd.f32 v2, v1  }
0x1e5: {  	v2 =	vld [tilespmem:s0+$0xE00]  }
0x1e6: {  	[tilespmem:s20+$0x1200] =	vst v1  }
0x1e7: {  	v1 =	vld [tilespmem:s0+$0x1200];
	_ =	sdelay $0x2  }
0x1e8: {  	v0 =	vmul.f32 v2, v0;
	_ =	sdelay $0x1  }
0x1e9: {  	v0 =	vadd.f32 v0, v1;
	_ =	sdelay $0x1  }
0x1ea: {  	[tilespmem:s0+$0x1200] =	vst v0;
	s0 =	simm.s32 @!p0 $0x1  }
0x1eb: {  	_ =	swait.ge @!p0 [sflag:s0], $0x1E850  }
0x1ec: {  	[sflag:s0] =	ssyncset.done @!p0 $0x0  }
0x1ed: {  	[sflag:s0] =	ssyncadd.s32 @!p0 $0xFFFE17B0  }
0x1ee: {  	s20 =	simm.s32 $0x0;
	[bflag:$0x0] =	sbarrier.arrive $0xFFFF  }
0x1ef: {  	[tilespmem:s24], [sflag:$0x2] =	stream.indirect.gather [spmem:s3], $0x1, s20, s23, $0xb8;
	[tilespmem:$0x1FCD0] =	vst v63  }
0x1f0: {  	_ = 	snop  }
0x1f1: {  	[tilespmem:s25], [sflag:$0x2] =	stream.indirect.gather [spmem:s3], $0x1, s19, s23, $0xb8;
	[tilespmem:$0x1FCD0] =	vst v63  }
0x1f2: {  	_ = 	snop  }
0x1f3: {  	[tilespmem:s26], [sflag:$0x2] =	stream.indirect.gather [spmem:s3], $0x1, s23, s23, $0xb8;
	[tilespmem:$0x1FCD0] =	vst v63  }
0x1f4: {  	_ = 	snop  }
0x1f5: {  	[tilespmem:s29], [sflag:$0x2] =	stream.indirect.gather [spmem:s3], $0x1, s28, s23, $0xb8;
	[tilespmem:$0x1FCD0] =	vst v63  }
0x1f6: {  	_ =	swait.ge [sflag:s30], $0x200  }
0x1f7: {  	[sflag:s30] =	ssyncset.done $0x0  }
0x1f8: {  	[sflag:s30] =	ssyncadd.s32 $0xFFFFFE00  }
0x1f9: {  	_ =	swait.ge [sflag:s30], $0x200  }
0x1fa: {  	[sflag:s30] =	ssyncset.done $0x0  }
0x1fb: {  	s20 =	simm.s32 $0x0;
	[sflag:s30] =	ssyncadd.s32 $0xFFFFFE00  }
0x1fc: {  	v0 =	vld [tilespmem:s20+$0x800]  }
0x1fd: {  	v1 =	vld [tilespmem:s20+$0xC00];
	_ =	sdelay $0x1  }
0x1fe: {  	v2 =	vld [tilespmem:s20+$0x1000];
	_ =	sdelay $0x2  }
0x1ff: {  	v1 =	vmul.f32 v1, v0  }
0x200: {  	s0 =	simm.s32 $0x10  }
0x201: {  	s5 =	simm.s32 $0x80;
	v0 =	vld [tilespmem:s0+$0x800];
	v1 =	vadd.f32 v1, v2  }
.LBB2_30:
0x202: {  	p2 =	sne.s32 s5, $0x7C0;
	v2 =	vld [tilespmem:s0+$0xC00]  }
0x203: {  	[tilespmem:s20+$0x1000] =	vst v1;
	s20 =	smov.u32 s0  }
0x204: {  	v1 =	vld [tilespmem:s20+$0x1000]  }
.Ltmp16:
0x205: {  	(pc) =	sbr.rel @p2 .LBB2_30-.Ltmp16, $4  }
0x206: {  	_ = 	snop  }
0x207: {  	v2 =	vmul.f32 v2, v0  }
0x208: {  	s0 =	sshra.s32 s5, $0x2  }
0x209: {  	s5 =	sadd.s32 $0x40, s5;
	v0 =	vld [tilespmem:s0+$0x800];
	v1 =	vadd.f32 v2, v1  }
0x20a: {  	v2 =	vld [tilespmem:s0+$0xC00]  }
0x20b: {  	[tilespmem:s20+$0x1000] =	vst v1  }
0x20c: {  	v1 =	vld [tilespmem:s0+$0x1000];
	_ =	sdelay $0x2  }
0x20d: {  	v0 =	vmul.f32 v2, v0;
	_ =	sdelay $0x1  }
0x20e: {  	v0 =	vadd.f32 v0, v1;
	_ =	sdelay $0x1  }
0x20f: {  	[tilespmem:s0+$0x1000] =	vst v0  }
0x210: {  	_ =	swait.ge [sflag:s30], $0x200  }
0x211: {  	[sflag:s30] =	ssyncset.done $0x0  }
0x212: {  	[sflag:s30] =	ssyncadd.s32 $0xFFFFFE00  }
0x213: {  	_ =	swait.ge [sflag:s30], $0x200  }
0x214: {  	[sflag:s30] =	ssyncset.done $0x0  }
0x215: {  	s20 =	simm.s32 $0x0;
	[sflag:s30] =	ssyncadd.s32 $0xFFFFFE00  }
0x216: {  	v0 =	vld [tilespmem:s20+$0xA00]  }
0x217: {  	v1 =	vld [tilespmem:s20+$0xE00];
	_ =	sdelay $0x1  }
0x218: {  	v2 =	vld [tilespmem:s20+$0x1200];
	_ =	sdelay $0x2  }
0x219: {  	v1 =	vmul.f32 v1, v0  }
0x21a: {  	s0 =	simm.s32 $0x10  }
0x21b: {  	s5 =	simm.s32 $0x80;
	v0 =	vld [tilespmem:s0+$0xA00];
	v1 =	vadd.f32 v1, v2  }
.LBB2_32:
0x21c: {  	p2 =	sne.s32 s5, $0x7C0;
	v2 =	vld [tilespmem:s0+$0xE00]  }
0x21d: {  	[tilespmem:s20+$0x1200] =	vst v1;
	s20 =	smov.u32 s0  }
0x21e: {  	v1 =	vld [tilespmem:s20+$0x1200]  }
.Ltmp17:
0x21f: {  	(pc) =	sbr.rel @p2 .LBB2_32-.Ltmp17, $4  }
0x220: {  	_ = 	snop  }
0x221: {  	v2 =	vmul.f32 v2, v0  }
0x222: {  	s0 =	sshra.s32 s5, $0x2  }
0x223: {  	s5 =	sadd.s32 $0x40, s5;
	v0 =	vld [tilespmem:s0+$0xA00];
	v1 =	vadd.f32 v2, v1  }
0x224: {  	v2 =	vld [tilespmem:s0+$0xE00]  }
0x225: {  	[tilespmem:s20+$0x1200] =	vst v1  }
0x226: {  	v1 =	vld [tilespmem:s0+$0x1200];
	_ =	sdelay $0x2  }
.Ltmp18:
0x227: {  	v0 =	vmul.f32 v2, v0;
	(pc) =	sbr.rel @!p1 .LBB2_34-.Ltmp18, $4  }
0x228: {  	_ = 	snop  }
0x229: {  	v0 =	vadd.f32 v0, v1  }
0x22a: {  	s5 =	simm.s32 $0x0  }
0x22b: {  	[tilespmem:s0+$0x1200] =	vst v0;
	s0 =	sshra.s32 s5, $0x2;
	s5 =	sadd.s32 $0x40, s5  }
.LBB2_38:
0x22c: {  	p2 =	sne.s32 s5, $0xFC0;
	v0 =	vld [tilespmem:s0+$0x400];
	_ =	sdelay $0x1  }
.Ltmp19:
0x22d: {  	(pc) =	sbr.rel @p2 .LBB2_38-.Ltmp19, $3  }
0x22e: {  	_ =	sdelay $0x1  }
0x22f: {  	v0 =	vadd.s32 $0x1, v0  }
0x230: {  	[tilespmem:s0+$0x400] =	vst v0;
	s0 =	sshra.s32 s5, $0x2;
	s5 =	sadd.s32 $0x40, s5  }
0x231: {  	v0 =	vld [tilespmem:s0+$0x400];
	_ =	sdelay $0x4  }
0x232: {  	v0 =	vadd.s32 $0x1, v0  }
0x233: {  	s20 =	rddreg [dreg:$0x3];
	[tilespmem:s0+$0x400] =	vst v0  }
0x234: {  	[tilespmem:s24], [sflag:$0x3] =	stream.indirect.gather [hbm4b:s20+s19], $0x1, s19, s19, $0xb8;
	[tilespmem:$0x1FCD0] =	vst v63  }
0x235: {  	_ =	swait.ge [sflag:s31], $0x400  }
0x236: {  	[sflag:s31] =	ssyncset.done $0x0  }
0x237: {  	s20 =	simm.s32 $0x0;
	[sflag:s31] =	ssyncadd.s32 $0xFFFFFC00  }
0x238: {  	s0 =	simm.s32 $0x40;
	v0 =	vld [tilespmem:s20+$0x800]  }
.LBB2_40:
0x239: {  	p2 =	sne.s32 s0, $0xFC0;
	v1 =	vld [tilespmem:s20+$0x1000];
	_ =	sdelay $0x2  }
.Ltmp20:
0x23a: {  	(pc) =	sbr.rel @p2 .LBB2_40-.Ltmp20, $4  }
0x23b: {  	_ = 	snop  }
0x23c: {  	v1 =	vadd.f32 v0, v1  }
0x23d: {  	s5 =	sshra.s32 s0, $0x2  }
0x23e: {  	s0 =	sadd.s32 $0x40, s0;
	v0 =	vld [tilespmem:s5+$0x800];
	[tilespmem:s20+$0x1000] =	vst v1;
	s20 =	smov.u32 s5  }
0x23f: {  	v1 =	vld [tilespmem:s20+$0x1000];
	_ =	sdelay $0x2  }
.Ltmp21:
0x240: {  	_ = 	snop;
	(pc) =	sbr.rel .LBB2_42-.Ltmp21, $3  }
0x241: {  	_ = 	snop  }
0x242: {  	v0 =	vadd.f32 v0, v1;
	_ =	sdelay $0x1  }
0x243: {  	[tilespmem:s20+$0x1000] =	vst v0  }
.LBB2_34:
0x244: {  	p2 =	sne.s32 s5, $0xFC0;
	v0 =	vld [tilespmem:s0+$0x0];
	_ =	sdelay $0x1  }
.Ltmp22:
0x245: {  	(pc) =	sbr.rel @p2 .LBB2_34-.Ltmp22, $3  }
0x246: {  	_ =	sdelay $0x1  }
0x247: {  	v0 =	vadd.s32 $0x1, v0  }
0x248: {  	[tilespmem:s0+$0x0] =	vst v0;
	s0 =	sshra.s32 s5, $0x2;
	s5 =	sadd.s32 $0x40, s5  }
0x249: {  	v0 =	vld [tilespmem:s0+$0x0];
	_ =	sdelay $0x4  }
0x24a: {  	v0 =	vadd.s32 $0x1, v0  }
0x24b: {  	s20 =	simm.s32 $0x0;
	s5 =	rddreg [dreg:$0x3];
	[tilespmem:s0+$0x0] =	vst v0  }
0x24c: {  	[tilespmem:s24], [sflag:$0x3] =	stream.indirect.gather [hbm4b:s5+s19], $0x1, s20, s19, $0xb8;
	[tilespmem:$0x1FCD0] =	vst v63  }
0x24d: {  	_ =	swait.ge [sflag:s31], $0x400  }
0x24e: {  	[sflag:s31] =	ssyncset.done $0x0  }
0x24f: {  	[sflag:s31] =	ssyncadd.s32 $0xFFFFFC00  }
0x250: {  	s20 =	simm.s32 $0x0;
	v0 =	vld.msk [tilespmem:$0x1400 ss:$0x0], $0xffff  }
0x251: {  	s0 =	simm.s32 $0x40;
	v1 =	vld [tilespmem:s20+$0x800]  }
.LBB2_36:
0x252: {  	p2 =	seq.s32 s0, $0xFC0;
	v2 =	vld [tilespmem:s20+$0x1000];
	_ =	sdelay $0x4  }
.Ltmp23:
0x253: {  	v1 =	vadd.f32 v1, v2;
	(pc) =	sbr.rel @!p2 .LBB2_36-.Ltmp23, $4  }
0x254: {  	_ = 	snop  }
0x255: {  	v2 =	vadd.f32 v1, v0  }
0x256: {  	s5 =	sshra.s32 s0, $0x2  }
0x257: {  	s0 =	sadd.s32 $0x40, s0;
	v1 =	vld [tilespmem:s5+$0x800];
	[tilespmem:s20+$0x1000] =	vst v2;
	s20 =	smov.u32 s5  }
.Ltmp24:
0x258: {  	_ = 	snop;
	(pc) =	sbr.rel .LBB2_37-.Ltmp24, $1  }
0x259: {  	_ =	sdelay $0x3  }
.LBB2_43:
0x25a: {  	_ =	sfence.sel $0x180000  }
0x25b: {  	[bflag:$0x0] =	sbarrier.arrive $0xFFFF  }
0x25c: {  	_ =	strace $0x90000047  }
0x25d: {  	[bflag:$0x2] =	sbarrier.arrive $0xFFFF  }
0x25e: {  	s0 =	rddreg [dreg:$0x7]  }
0x25f: {  	s0 =	sadd.s32 @!p0 $0x100000, s0  }
0x260: {  	[sflag:s0] =	ssyncadd.tile.s32 @!p0 $0x1;
	_ =	shalt  }
.Lfunc_end2:
_tile_overlayer_lowered:
.L_overlay_start_2:
0x261: {  	(tag) =	ssettag $0x2  }
0x262: {  	s0 =	rddreg [dreg:$0x0];
	s2 =	stileid.u32  }
0x263: {  	s1 =	rddreg [dreg:$0x1];
	p0 =	sne.s32 s2, $0x0  }
0x264: {  	s3 =	rddreg [dreg:$0x2];
	[bflag:$0x3] =	sbarrier.arrive $0xFFFF;
	s2 =	simm.s32 @!p0 $0x1C04  }
0x265: {  	[timem:s3], [sflag:s2] =	dma.local @!p0 [hbm:s0], s1  }
0x266: {  	s0 =	simm.s32 @!p0 $0x4  }
0x267: {  	_ =	swait.ge @!p0 [sflag:s0], s1  }
0x268: {  	s1 =	ssub.s32 @!p0 $0x0, s1;
	[sflag:s0] =	ssyncset.done @!p0 $0x0  }
0x269: {  	[sflag:s0] =	ssyncadd.s32 @!p0 s1  }
0x26a: {  	[bflag:$0x3] =	sbarrier.arrive $0xFFFF  }
0x26b: {  	_ =	shalt  }

</sc_bundles>
